<compile_context>
chip_gen: v7x
topology: tpu7x:2x2x1
jax: 0.10.2.dev20260603
libtpu: 0.0.44.dev20260713+nightly
codegen_flags: <defaults>
</compile_context>

<pallas_src>
import functools

import jax
import jax.numpy as jnp
from jax import lax
from jax.experimental import pallas as pl
from jax.experimental.pallas import tpu as pltpu
from jax.experimental.pallas import tpu_sc as plsc

N_NODES = 10000
N_EDGES = 320000
EM = 128
B = 1024
L = 20
ITEM_NUM = 8000

NC = 2
NS = 16
NW = NC * NS
LANES = 16
F32 = jnp.float32


ECHUNK = 128
N_ECHUNKS = N_EDGES // ECHUNK
CHUNKS_PER_TILE = N_ECHUNKS // NW
TAIL_CHUNKS = N_ECHUNKS - CHUNKS_PER_TILE * NW
NPAD = 10240
DGP = NPAD // 8
ROWS_PER_TILE = NPAD // NS
DROWS_PER_TILE = DGP // NS
ZCOPY = 128


def _seg_body(src_hbm, dst_hbm, v2e_hbm, e16b_hbm, sum_out, degp_out,
              idx_src, idx_dst, idx_pat, idx_prow, rows, ohrb,
              sum_tbl, degp_tbl, semg, semd):
  c = lax.axis_index("c")
  s = lax.axis_index("s")
  wid = c * NS + s

  def zrow(i, _):
    r = i // (EM // LANES)
    col = (i % (EM // LANES)) * LANES
    rows[r, pl.ds(col, LANES)] = jnp.zeros((LANES,), F32)
    return 0
  lax.fori_loop(0, ZCOPY * (EM // LANES), zrow, 0)

  def zohr(i, _):
    r = i // (EM // LANES)
    col = (i % (EM // LANES)) * LANES
    ohrb[r, pl.ds(col, LANES)] = jnp.zeros((LANES,), F32)
    return 0
  lax.fori_loop(0, ZCOPY * (EM // LANES), zohr, 0)

  base = s * ROWS_PER_TILE
  for j in range(ROWS_PER_TILE // ZCOPY):
    pltpu.sync_copy(rows.at[pl.ds(0, ZCOPY)],
                    sum_tbl.at[pl.ds(base + j * ZCOPY, ZCOPY)])
  dbase = s * DROWS_PER_TILE
  pltpu.sync_copy(ohrb.at[pl.ds(0, DROWS_PER_TILE)],
                  degp_tbl.at[pl.ds(dbase, DROWS_PER_TILE)])

  plsc.subcore_barrier()

  def do_chunk(chunk_id):
    e0 = chunk_id * ECHUNK
    pltpu.sync_copy(src_hbm.at[pl.ds(e0, ECHUNK)], idx_src)
    pltpu.sync_copy(dst_hbm.at[pl.ds(e0, ECHUNK)], idx_dst)
    for i in range(ECHUNK // LANES):
      v = idx_dst[pl.ds(i * LANES, LANES)]
      idx_pat[pl.ds(i * LANES, LANES)] = jnp.bitwise_and(
          v, jnp.full((LANES,), 7, jnp.int32))
      idx_prow[pl.ds(i * LANES, LANES)] = lax.shift_right_logical(
          v, jnp.full((LANES,), 3, jnp.int32))
    h1 = pltpu.async_copy(v2e_hbm.at[idx_src], rows, semg)
    h2 = pltpu.async_copy(e16b_hbm.at[idx_pat], ohrb, semd)
    h1.wait()
    pltpu.sync_copy(rows, sum_tbl.at[idx_dst], add=True)
    h2.wait()
    pltpu.sync_copy(ohrb, degp_tbl.at[idx_prow], add=True)

  def chunk_body(k, _):
    do_chunk(k * NW + wid)
    return 0
  lax.fori_loop(0, CHUNKS_PER_TILE, chunk_body, 0)

  @pl.when(wid < TAIL_CHUNKS)
  def _():
    do_chunk(CHUNKS_PER_TILE * NW + wid)

  plsc.subcore_barrier()

  for j in range(ROWS_PER_TILE // ZCOPY):
    r0 = base + j * ZCOPY
    pltpu.sync_copy(sum_tbl.at[pl.ds(r0, ZCOPY)],
                    sum_out.at[pl.ds(c * NPAD + r0, ZCOPY)])
  pltpu.sync_copy(degp_tbl.at[pl.ds(dbase, DROWS_PER_TILE)],
                  degp_out.at[pl.ds(c * DGP + dbase, DROWS_PER_TILE)])


@functools.cache
def _seg_fn():
  return pl.kernel(
      _seg_body,
      out_type=(jax.ShapeDtypeStruct((NC * NPAD, EM), F32),
                jax.ShapeDtypeStruct((NC * DGP, EM), F32)),
      mesh=plsc.VectorSubcoreMesh(core_axis_name="c", subcore_axis_name="s",
                                  num_cores=NC, num_subcores=NS),
      scratch_types=[
          pltpu.VMEM((ECHUNK,), jnp.int32),
          pltpu.VMEM((ECHUNK,), jnp.int32),
          pltpu.VMEM((ECHUNK,), jnp.int32),
          pltpu.VMEM((ECHUNK,), jnp.int32),
          pltpu.VMEM((ECHUNK, EM), F32),
          pltpu.VMEM((ECHUNK, EM), F32),
          pltpu.VMEM_SHARED((NPAD, EM), F32),
          pltpu.VMEM_SHARED((DGP, EM), F32),
          pltpu.SemaphoreType.DMA,
          pltpu.SemaphoreType.DMA,
      ],
  )


BL = B * L
GCHUNK = 128
G_PER_TILE = BL // NW // GCHUNK
U_PER_TILE = B // NW


def _gat_body(havg_hbm, pos_hbm, bidx_hbm, pidx_hbm, uid_hbm,
              node_out, pos_out, user_out,
              idx, rows, ubuf, urows, sem):
  c = lax.axis_index("c")
  s = lax.axis_index("s")
  wid = c * NS + s

  def gat(k, src_hbm, idx_hbm, out_hbm):
    base = wid * (G_PER_TILE * GCHUNK) + k * GCHUNK
    pltpu.sync_copy(idx_hbm.at[pl.ds(base, GCHUNK)], idx)
    pltpu.async_copy(src_hbm.at[idx], rows, sem).wait()
    pltpu.sync_copy(rows, out_hbm.at[pl.ds(base, GCHUNK)])

  def bbody(k, _):
    gat(k, havg_hbm, bidx_hbm, node_out)
    return 0
  lax.fori_loop(0, G_PER_TILE, bbody, 0)

  def pbody(k, _):
    gat(k, pos_hbm, pidx_hbm, pos_out)
    return 0
  lax.fori_loop(0, G_PER_TILE, pbody, 0)

  ub = wid * U_PER_TILE
  pltpu.sync_copy(uid_hbm.at[pl.ds(ub, U_PER_TILE)], ubuf)
  for i in range(U_PER_TILE // LANES):
    ubuf[pl.ds(i * LANES, LANES)] = (
        ubuf[pl.ds(i * LANES, LANES)] + jnp.full((LANES,), ITEM_NUM, jnp.int32))
  pltpu.async_copy(havg_hbm.at[ubuf], urows, sem).wait()
  pltpu.sync_copy(urows, user_out.at[pl.ds(ub, U_PER_TILE)])


@functools.cache
def _gat_fn():
  return pl.kernel(
      _gat_body,
      out_type=(jax.ShapeDtypeStruct((BL, EM), F32),
                jax.ShapeDtypeStruct((BL, EM), F32),
                jax.ShapeDtypeStruct((B, EM), F32)),
      mesh=plsc.VectorSubcoreMesh(core_axis_name="c", subcore_axis_name="s",
                                  num_cores=NC, num_subcores=NS),
      scratch_types=[
          pltpu.VMEM((GCHUNK,), jnp.int32),
          pltpu.VMEM((GCHUNK, EM), F32),
          pltpu.VMEM((U_PER_TILE,), jnp.int32),
          pltpu.VMEM((U_PER_TILE, EM), F32),
          pltpu.SemaphoreType.DMA,
      ],
  )


RBLK = 1000


def _conv_body(p0, p1, d0, d1, v2e, ws, wn, b, out):
  sums = p0[...] + p1[...]
  deg = (d0[...] + d1[...])[:, 0:1]
  mean = sums / jnp.maximum(deg, 1.0)
  v = v2e[...]
  h = lax.dot_general(v, ws[...], (((1,), (1,)), ((), ())),
                      preferred_element_type=F32)
  h += lax.dot_general(mean, wn[...], (((1,), (1,)), ((), ())),
                       preferred_element_type=F32)
  h = jnp.maximum(h + b[...], 0.0)
  out[...] = (h + v) * 0.5


def _conv_call(p0, p1, d0, d1, v2e, ws, wn, b1):
  grid = (N_NODES // RBLK,)
  return pl.pallas_call(
      _conv_body,
      grid=grid,
      in_specs=[
          pl.BlockSpec((RBLK, EM), lambda i: (i, 0)),
          pl.BlockSpec((RBLK, EM), lambda i: (i, 0)),
          pl.BlockSpec((RBLK, LANES), lambda i: (i, 0)),
          pl.BlockSpec((RBLK, LANES), lambda i: (i, 0)),
          pl.BlockSpec((RBLK, EM), lambda i: (i, 0)),
          pl.BlockSpec((EM, EM), lambda i: (0, 0)),
          pl.BlockSpec((EM, EM), lambda i: (0, 0)),
          pl.BlockSpec((1, EM), lambda i: (0, 0)),
      ],
      out_specs=pl.BlockSpec((RBLK, EM), lambda i: (i, 0)),
      out_shape=jax.ShapeDtypeStruct((N_NODES, EM), F32),
  )(p0, p1, d0, d1, v2e, ws, wn, b1)


BBLK = 128


def _att_body(node, pos, user, w1, g1w, g1b, g2w, w2t, w3, w4t, g3w, g3b,
              g4w, scw, scb, out):
  nd = node[...]
  n2 = nd.reshape(L * BBLK, EM)
  p2 = pos[...].reshape(L * BBLK, EM)
  u = user[...]

  hs = jnp.sum(nd, axis=0) * (1.0 / L)

  def mm(x, w):
    return lax.dot_general(x, w, (((1,), (0,)), ((), ())),
                           preferred_element_type=F32)

  def mmT(x, w):
    return lax.dot_general(x, w, (((1,), (1,)), ((), ())),
                           preferred_element_type=F32)

  w1m = w1[...]
  nh = jnp.tanh(mm(p2, w1m[:EM]) + mm(n2, w1m[EM:]))
  hsg = mmT(hs, g2w[...])
  g = mmT(nh, g1w[...]) + g1b[...]
  g = g + jnp.broadcast_to(hsg[None], (L, BBLK, EM)).reshape(L * BBLK, EM)
  nh = jax.nn.sigmoid(g).reshape(L, BBLK, EM)
  beta = jnp.sum(nh * w2t[...][0][None, None, :], axis=2)
  sess = jnp.sum(beta[:, :, None] * nd, axis=0)

  nh2 = jnp.tanh(mm(n2, w3[...]))
  ug = mmT(u, g4w[...])
  g2 = mmT(nh2, g3w[...]) + g3b[...]
  g2 = g2 + jnp.broadcast_to(ug[None], (L, BBLK, EM)).reshape(L * BBLK, EM)
  nh2 = jax.nn.sigmoid(g2).reshape(L, BBLK, EM)
  beta2 = jnp.sum(nh2 * w4t[...][0][None, None, :], axis=2)
  sess_u = jnp.sum(beta2[:, :, None] * nd, axis=0)

  scv = scw[...][0]
  a = (jnp.sum(sess * scv[:EM][None, :], axis=1)
       + jnp.sum(sess_u * scv[EM:][None, :], axis=1) + scb[...][0, 0])
  alpha = jax.nn.sigmoid(a)[:, None]
  out[...] = u + alpha * sess + (1.0 - alpha) * sess_u


def _att_call(node3, pos3, user, w1, g1w, g1b, g2w, w2t, w3, w4t, g3w, g3b,
              g4w, scw, scb):
  grid = (B // BBLK,)

  def full(shape):
    nd = len(shape)
    return pl.BlockSpec(shape, lambda i, _n=nd: (0,) * _n)

  return pl.pallas_call(
      _att_body,
      grid=grid,
      in_specs=[
          pl.BlockSpec((L, BBLK, EM), lambda i: (0, i, 0)),
          pl.BlockSpec((L, BBLK, EM), lambda i: (0, i, 0)),
          pl.BlockSpec((BBLK, EM), lambda i: (i, 0)),
          full((2 * EM, EM)),
          full((EM, EM)),
          full((1, EM)),
          full((EM, EM)),
          full((1, EM)),
          full((EM, EM)),
          full((1, EM)),
          full((EM, EM)),
          full((1, EM)),
          full((EM, EM)),
          full((1, 2 * EM)),
          full((1, 1)),
      ],
      out_specs=pl.BlockSpec((BBLK, EM), lambda i: (i, 0)),
      out_shape=jax.ShapeDtypeStruct((B, EM), F32),
  )(node3, pos3, user, w1, g1w, g1b, g2w, w2t, w3, w4t, g3w, g3b, g4w,
    scw, scb)


NBLK = 2048


def _score_body(seq, v2e, out):
  out[...] = lax.dot_general(seq[...], v2e[...], (((1,), (1,)), ((), ())),
                             preferred_element_type=F32)


def _score_call(seq, v2e):
  grid = (pl.cdiv(N_NODES, NBLK),)
  return pl.pallas_call(
      _score_body,
      grid=grid,
      in_specs=[
          pl.BlockSpec((B, EM), lambda i: (0, 0)),
          pl.BlockSpec((NBLK, EM), lambda i: (i, 0)),
      ],
      out_specs=pl.BlockSpec((B, NBLK), lambda i: (0, i)),
      out_shape=jax.ShapeDtypeStruct((B, N_NODES), F32),
  )(seq, v2e)



def kernel(v2e, pos_table, W_self, W_neigh, b_conv, w_1, w_2, glu1_W, glu1_b,
           glu2_W, w_3, w_4, glu3_W, glu3_b, glu4_W, sc_W, sc_b,
           uid, browsed_ids, mask, seq_len, pos_idx, edge_index):
  edge_src = edge_index[0].astype(jnp.int32)
  edge_dst = edge_index[1].astype(jnp.int32)

  e16b = (jnp.arange(EM, dtype=jnp.int32)[None, :] // LANES
          == jnp.arange(8, dtype=jnp.int32)[:, None]).astype(F32)
  sums2, degp2 = _seg_fn()(edge_src, edge_dst, v2e, e16b)
  degs2 = degp2.reshape(NC * NPAD, LANES)
  havg = _conv_call(sums2[:N_NODES], sums2[NPAD:NPAD + N_NODES],
                    degs2[:N_NODES], degs2[NPAD:NPAD + N_NODES],
                    v2e, W_self, W_neigh, b_conv.reshape(1, EM))

  bidx_t = browsed_ids.astype(jnp.int32).T.reshape(BL)
  pidx_t = pos_idx.astype(jnp.int32).T.reshape(BL)
  node_f, pos_f, user_emb = _gat_fn()(havg, pos_table, bidx_t, pidx_t,
                                      uid.astype(jnp.int32))
  node3 = node_f.reshape(L, B, EM)
  pos3 = pos_f.reshape(L, B, EM)

  seq = _att_call(node3, pos3, user_emb, w_1, glu1_W, glu1_b.reshape(1, EM),
                  glu2_W, w_2.reshape(1, EM), w_3, w_4.reshape(1, EM),
                  glu3_W, glu3_b.reshape(1, EM), glu4_W, sc_W,
                  sc_b.reshape(1, 1))
  return _score_call(seq, v2e)

# --- scband reference (transcript-rebuilt; emitter-appended) ---
"""Pipeline reference for scband-hg-gnn-44409961840799 (READ-ONLY COPY).

The authoritative reference and input builder live on the scoring server;
editing this copy changes nothing except your own understanding.
"""

import jax, jax.numpy as jnp
import numpy as np

N_NODES = 10000
N_EDGES = 320000
EM = 128
B = 1024
L = 20
ITEM_NUM = 8000
POS_VOCAB = 200


def setup_inputs(seed: int = 0) -> dict:
    key = jax.random.key(seed)
    ks = jax.random.split(key, 24)
    stdv = 1.0 / np.sqrt(EM)

    def u(k, shape):
        return jax.random.uniform(k, shape, jnp.float32, -stdv, stdv)

    inp = {}
    # learned parameters (uniform(-stdv, stdv) as in reset_parameters)
    inp['v2e'] = u(ks[0], (N_NODES, EM))
    inp['pos_table'] = u(ks[1], (POS_VOCAB, EM))
    inp['W_self'] = u(ks[2], (EM, EM))
    inp['W_neigh'] = u(ks[3], (EM, EM))
    inp['b_conv'] = u(ks[4], (EM,))
    inp['w_1'] = u(ks[5], (2 * EM, EM))
    inp['w_2'] = u(ks[6], (EM, 1))
    inp['glu1_W'] = u(ks[7], (EM, EM))
    inp['glu1_b'] = u(ks[8], (EM,))
    inp['glu2_W'] = u(ks[9], (EM, EM))
    inp['w_3'] = u(ks[10], (EM, EM))
    inp['w_4'] = u(ks[11], (EM, 1))
    inp['glu3_W'] = u(ks[12], (EM, EM))
    inp['glu3_b'] = u(ks[13], (EM,))
    inp['glu4_W'] = u(ks[14], (EM, EM))
    inp['sc_W'] = u(ks[15], (1, 2 * EM))
    inp['sc_b'] = u(ks[16], (1,))
    # forward data inputs
    inp['uid'] = jax.random.randint(ks[17], (B,), 0, N_NODES - ITEM_NUM)
    inp['browsed_ids'] = jax.random.randint(ks[18], (B, L), 0, ITEM_NUM)
    inp['mask'] = jnp.ones((B, L), jnp.int32)
    inp['seq_len'] = jax.random.randint(ks[19], (B,), 1, L)
    inp['pos_idx'] = jax.random.randint(ks[20], (B, L), 0, L)
    inp['edge_index'] = jax.random.randint(ks[21], (2, N_EDGES), 0, N_NODES)
    return inp


def reference(v2e, pos_table, W_self, W_neigh, b_conv, w_1, w_2, glu1_W, glu1_b,
              glu2_W, w_3, w_4, glu3_W, glu3_b, glu4_W, sc_W, sc_b,
              uid, browsed_ids, mask, seq_len, pos_idx, edge_index):
    # SAGEConv('mean') over full graph: h1 = relu(fc_self(h) + fc_neigh(mean_neigh(h)))
    # (emb_dropout has p=0.0 -> identity)
    src = edge_index[0]
    dst = edge_index[1]
    neigh_sum = jax.ops.segment_sum(v2e[src], dst, num_segments=N_NODES)
    deg = jax.ops.segment_sum(jnp.ones((N_EDGES,), jnp.float32), dst, num_segments=N_NODES)
    neigh_mean = neigh_sum / jnp.maximum(deg, 1.0)[:, None]
    h1 = jax.nn.relu(v2e @ W_self.T + neigh_mean @ W_neigh.T + b_conv)

    user = uid + ITEM_NUM
    node_embeds = (h1[browsed_ids] + v2e[browsed_ids]) / 2.0   # [B, L, EM]
    user_embeds = (h1[user] + v2e[user]) / 2.0                 # [B, EM]

    maskf = mask.astype(jnp.float32)[..., None]                # [B, L, 1]

    # compute_hidden_vector
    tmp = jnp.sum(node_embeds * maskf, -2) / jnp.sum(maskf, 1)  # [B, EM]
    hs = tmp[:, None, :]
    pos_emb = pos_table[pos_idx]                                # [B, L, EM]
    nh = jnp.tanh(jnp.concatenate([pos_emb, node_embeds], -1) @ w_1)
    nh = jax.nn.sigmoid(nh @ glu1_W.T + glu1_b + hs @ glu2_W.T)
    beta = (nh @ w_2) * maskf
    sess_vec = jnp.sum(beta * node_embeds, 1)                   # [B, EM]

    # sess_user_vector
    hs2 = user_embeds[:, None, :]
    nh2 = jnp.tanh(node_embeds @ w_3)
    nh2 = jax.nn.sigmoid(nh2 @ glu3_W.T + glu3_b + hs2 @ glu4_W.T)
    beta2 = (nh2 @ w_4) * maskf
    sess_user = jnp.sum(beta2 * node_embeds, 1)                 # [B, EM]

    alpha = jax.nn.sigmoid(jnp.concatenate([sess_vec, sess_user], 1) @ sc_W.T + sc_b)  # [B, 1]
    seq_embeds = user_embeds + alpha * sess_vec + (1.0 - alpha) * sess_user
    scores = seq_embeds @ v2e.T                                 # [B, N_NODES]
    return scores

if __name__ == "__main__":
    import jax
    _d = setup_inputs()
    print(jax.jit(kernel)(*tuple(_d.values())))

</pallas_src>

<mosaic_0001>
#map = affine_map<(d0, d1) -> (0)>
#map1 = affine_map<(d0, d1) -> (0, 0)>
module attributes {stable_mosaic.version = 14 : i64} {
  func.func @_seg_body(%arg0: i32, %arg1: i32, %arg2: memref<320000xi32, #tpu.memory_space<hbm>>, %arg3: memref<320000xi32, #tpu.memory_space<hbm>>, %arg4: memref<10000x128xf32, #tpu.memory_space<hbm>>, %arg5: memref<8x128xf32, #tpu.memory_space<hbm>>, %arg6: memref<20480x128xf32, #tpu.memory_space<hbm>>, %arg7: memref<2560x128xf32, #tpu.memory_space<hbm>>, %arg8: memref<128xi32, #tpu.memory_space<vmem>>, %arg9: memref<128xi32, #tpu.memory_space<vmem>>, %arg10: memref<128xi32, #tpu.memory_space<vmem>>, %arg11: memref<128xi32, #tpu.memory_space<vmem>>, %arg12: memref<128x128xf32, #tpu.memory_space<vmem>>, %arg13: memref<128x128xf32, #tpu.memory_space<vmem>>, %arg14: memref<10240x128xf32, #tpu.memory_space<vmem_shared>>, %arg15: memref<1280x128xf32, #tpu.memory_space<vmem_shared>>, %arg16: memref<!tpu.dma_semaphore, #tpu.memory_space<semaphore_mem>>, %arg17: memref<!tpu.dma_semaphore, #tpu.memory_space<semaphore_mem>>) attributes {dimension_semantics = [#tpu.dimension_semantics<core_parallel>, #tpu.dimension_semantics<subcore_parallel>], iteration_bounds = array<i64: 2, 16>, scalar_prefetch = 0 : i64, scratch_operands = 10 : i64, tpu.core_type = #tpu.core_type<sc_vector_subcore>, window_params = [{transform_indices = #map}, {transform_indices = #map}, {transform_indices = #map1}, {transform_indices = #map1}, {transform_indices = #map1}, {transform_indices = #map1}]} {
    %mul3A = arith.constant 16 : i32
    %mul3A_0 = arith.muli %arg0, %mul3A : i32
    %add3A = arith.addi %mul3A_0, %arg1 : i32
    %scan3A = arith.constant 0 : i32
    %scan3A_1 = arith.constant 0 : i32
    %scan3A_2 = arith.constant 1024 : i32
    %scan3A_3 = arith.addi %scan3A_1, %scan3A_2 : i32
    %scan3A_4 = arith.constant 1 : i32
    %scan3A_5 = scf.for %scan3A_66 = %scan3A_1 to %scan3A_3 step %scan3A_4 iter_args(%scan3A_67 = %scan3A) -> (i32)  : i32 {
      %jit3A = arith.constant 8 : i32
      %div3A = arith.divsi %scan3A_66, %jit3A : i32
      %sign3A = arith.constant 0 : i32
      %sign3A_68 = arith.cmpi sgt, %scan3A_66, %sign3A : i32
      %sign3A_69 = arith.extui %sign3A_68 : i1 to i32
      %sign3A_70 = arith.constant 0 : i32
      %sign3A_71 = arith.cmpi slt, %scan3A_66, %sign3A_70 : i32
      %sign3A_72 = arith.extui %sign3A_71 : i1 to i32
      %sign3A_73 = arith.subi %sign3A_69, %sign3A_72 : i32
      %sign3A_74 = arith.constant 0 : i32
      %sign3A_75 = arith.cmpi sgt, %jit3A, %sign3A_74 : i32
      %sign3A_76 = arith.extui %sign3A_75 : i1 to i32
      %sign3A_77 = arith.constant 0 : i32
      %sign3A_78 = arith.cmpi slt, %jit3A, %sign3A_77 : i32
      %sign3A_79 = arith.extui %sign3A_78 : i1 to i32
      %sign3A_80 = arith.subi %sign3A_76, %sign3A_79 : i32
      %ne3A = arith.cmpi ne, %sign3A_73, %sign3A_80 : i32
      %rem3A = arith.remsi %scan3A_66, %jit3A : i32
      %ne3A_81 = arith.constant 0 : i32
      %ne3A_82 = arith.cmpi ne, %rem3A, %ne3A_81 : i32
      %and3A = arith.andi %ne3A, %ne3A_82 : i1
      %sub3A = arith.constant 1 : i32
      %sub3A_83 = arith.subi %div3A, %sub3A : i32
      %select_n3A = arith.select %and3A, %sub3A_83, %div3A : i32
      %jit3A_84 = arith.constant 8 : i32
      %eq3A = arith.constant 0 : i32
      %eq3A_85 = arith.cmpi eq, %jit3A_84, %eq3A : i32
      %jit3A_86 = arith.constant 1 : i32
      %select_n3A_87 = arith.select %eq3A_85, %jit3A_86, %jit3A_84 : i32
      %rem3A_88 = arith.remsi %scan3A_66, %select_n3A_87 : i32
      %ne3A_89 = arith.constant 0 : i32
      %ne3A_90 = arith.cmpi ne, %rem3A_88, %ne3A_89 : i32
      %lt3A_91 = arith.constant 0 : i32
      %lt3A_92 = arith.cmpi slt, %rem3A_88, %lt3A_91 : i32
      %lt3A_93 = arith.constant 0 : i32
      %lt3A_94 = arith.cmpi slt, %select_n3A_87, %lt3A_93 : i32
      %ne3A_95 = arith.xori %lt3A_92, %lt3A_94 : i1
      %and3A_96 = arith.andi %ne3A_95, %ne3A_90 : i1
      %add3A_97 = arith.addi %rem3A_88, %select_n3A_87 : i32
      %select_n3A_98 = arith.select %and3A_96, %add3A_97, %rem3A_88 : i32
      %mul3A_99 = arith.constant 16 : i32
      %mul3A_100 = arith.muli %select_n3A_98, %mul3A_99 : i32
      %broadcast_in_dim3A = arith.constant 0.000000e+00 : f32
      %broadcast_in_dim3A_101 = vector.broadcast %broadcast_in_dim3A : f32 to vector<16xf32>
      %swap3A = arith.index_cast %select_n3A : i32 to index
      %swap3A_102 = arith.index_cast %mul3A_100 : i32 to index
      %swap3A_103 = tpu.vector_load %arg12[%swap3A, %swap3A_102] {strides = array<i32>} : memref<128x128xf32, #tpu.memory_space<vmem>>, vector<1x16xf32>,
      %swap3A_104 = vector.shape_cast %swap3A_103 : vector<1x16xf32> to vector<16xf32>
      %swap3A_105 = vector.shape_cast %broadcast_in_dim3A_101 : vector<16xf32> to vector<1x16xf32>
      tpu.vector_store %arg12[%swap3A, %swap3A_102], %swap3A_105 {strides = array<i32>} : memref<128x128xf32, #tpu.memory_space<vmem>>, vector<1x16xf32>,
      %scan3A_106 = arith.constant 0 : i32
      scf.yield %scan3A_106 : i32
    }
    %scan3A_6 = arith.constant 1024 : i32
    %scan3A_7 = arith.constant 0 : i32
    %scan3A_8 = arith.constant 0 : i32
    %scan3A_9 = arith.constant 1024 : i32
    %scan3A_10 = arith.addi %scan3A_8, %scan3A_9 : i32
    %scan3A_11 = arith.constant 1 : i32
    %scan3A_12 = scf.for %scan3A_66 = %scan3A_8 to %scan3A_10 step %scan3A_11 iter_args(%scan3A_67 = %scan3A_7) -> (i32)  : i32 {
      %jit3A = arith.constant 8 : i32
      %div3A = arith.divsi %scan3A_66, %jit3A : i32
      %sign3A = arith.constant 0 : i32
      %sign3A_68 = arith.cmpi sgt, %scan3A_66, %sign3A : i32
      %sign3A_69 = arith.extui %sign3A_68 : i1 to i32
      %sign3A_70 = arith.constant 0 : i32
      %sign3A_71 = arith.cmpi slt, %scan3A_66, %sign3A_70 : i32
      %sign3A_72 = arith.extui %sign3A_71 : i1 to i32
      %sign3A_73 = arith.subi %sign3A_69, %sign3A_72 : i32
      %sign3A_74 = arith.constant 0 : i32
      %sign3A_75 = arith.cmpi sgt, %jit3A, %sign3A_74 : i32
      %sign3A_76 = arith.extui %sign3A_75 : i1 to i32
      %sign3A_77 = arith.constant 0 : i32
      %sign3A_78 = arith.cmpi slt, %jit3A, %sign3A_77 : i32
      %sign3A_79 = arith.extui %sign3A_78 : i1 to i32
      %sign3A_80 = arith.subi %sign3A_76, %sign3A_79 : i32
      %ne3A = arith.cmpi ne, %sign3A_73, %sign3A_80 : i32
      %rem3A = arith.remsi %scan3A_66, %jit3A : i32
      %ne3A_81 = arith.constant 0 : i32
      %ne3A_82 = arith.cmpi ne, %rem3A, %ne3A_81 : i32
      %and3A = arith.andi %ne3A, %ne3A_82 : i1
      %sub3A = arith.constant 1 : i32
      %sub3A_83 = arith.subi %div3A, %sub3A : i32
      %select_n3A = arith.select %and3A, %sub3A_83, %div3A : i32
      %jit3A_84 = arith.constant 8 : i32
      %eq3A = arith.constant 0 : i32
      %eq3A_85 = arith.cmpi eq, %jit3A_84, %eq3A : i32
      %jit3A_86 = arith.constant 1 : i32
      %select_n3A_87 = arith.select %eq3A_85, %jit3A_86, %jit3A_84 : i32
      %rem3A_88 = arith.remsi %scan3A_66, %select_n3A_87 : i32
      %ne3A_89 = arith.constant 0 : i32
      %ne3A_90 = arith.cmpi ne, %rem3A_88, %ne3A_89 : i32
      %lt3A_91 = arith.constant 0 : i32
      %lt3A_92 = arith.cmpi slt, %rem3A_88, %lt3A_91 : i32
      %lt3A_93 = arith.constant 0 : i32
      %lt3A_94 = arith.cmpi slt, %select_n3A_87, %lt3A_93 : i32
      %ne3A_95 = arith.xori %lt3A_92, %lt3A_94 : i1
      %and3A_96 = arith.andi %ne3A_95, %ne3A_90 : i1
      %add3A_97 = arith.addi %rem3A_88, %select_n3A_87 : i32
      %select_n3A_98 = arith.select %and3A_96, %add3A_97, %rem3A_88 : i32
      %mul3A_99 = arith.constant 16 : i32
      %mul3A_100 = arith.muli %select_n3A_98, %mul3A_99 : i32
      %broadcast_in_dim3A = arith.constant 0.000000e+00 : f32
      %broadcast_in_dim3A_101 = vector.broadcast %broadcast_in_dim3A : f32 to vector<16xf32>
      %swap3A = arith.index_cast %select_n3A : i32 to index
      %swap3A_102 = arith.index_cast %mul3A_100 : i32 to index
      %swap3A_103 = tpu.vector_load %arg13[%swap3A, %swap3A_102] {strides = array<i32>} : memref<128x128xf32, #tpu.memory_space<vmem>>, vector<1x16xf32>,
      %swap3A_104 = vector.shape_cast %swap3A_103 : vector<1x16xf32> to vector<16xf32>
      %swap3A_105 = vector.shape_cast %broadcast_in_dim3A_101 : vector<16xf32> to vector<1x16xf32>
      tpu.vector_store %arg13[%swap3A, %swap3A_102], %swap3A_105 {strides = array<i32>} : memref<128x128xf32, #tpu.memory_space<vmem>>, vector<1x16xf32>,
      %scan3A_106 = arith.constant 0 : i32
      scf.yield %scan3A_106 : i32
    }
    %scan3A_13 = arith.constant 1024 : i32
    %mul3A_14 = arith.constant 640 : i32
    %mul3A_15 = arith.muli %arg1, %mul3A_14 : i32
    %add3A_16 = arith.constant 0 : i32
    %add3A_17 = arith.addi %mul3A_15, %add3A_16 : i32
    "tpu.region"() ({
      %run_scoped3A = tpu.sem_alloc : memref<!tpu.dma_semaphore, #tpu.memory_space<semaphore_mem>>
      %dma_start3A = arith.constant 0 : i32
      %dma_start3A_66 = arith.constant 0 : i32
      %dma_start3A_67 = tpu.memref_slice %arg12[%dma_start3A, %dma_start3A_66] : memref<128x128xf32, #tpu.memory_space<vmem>> -> memref<128x128xf32, #tpu.memory_space<vmem>>
      %dma_start3A_68 = arith.constant 0 : i32
      %dma_start3A_69 = tpu.memref_slice %arg14[%add3A_17, %dma_start3A_68] : memref<10240x128xf32, #tpu.memory_space<vmem_shared>> -> memref<128x128xf32, #tpu.memory_space<vmem_shared>>
      %dma_start3A_70 = arith.constant 0 : i32
      %dma_start3A_71 = tpu.memref_slice %arg14[%add3A_17, %dma_start3A_70] : memref<10240x128xf32, #tpu.memory_space<vmem_shared>> -> memref<128x128xf32, #tpu.memory_space<vmem_shared>>
      %dma_start3A_72 = arith.constant 0 : i32
      %dma_start3A_73 = arith.constant 0 : i32
      %dma_start3A_74 = tpu.memref_slice %arg12[%dma_start3A_72, %dma_start3A_73] : memref<128x128xf32, #tpu.memory_space<vmem>> -> memref<128x128xf32, #tpu.memory_space<vmem>>
      tpu.enqueue_dma source(%dma_start3A_74 : memref<128x128xf32, #tpu.memory_space<vmem>>) target(%dma_start3A_71 : memref<128x128xf32, #tpu.memory_space<vmem_shared>>) target_semaphore(%run_scoped3A : memref<!tpu.dma_semaphore, #tpu.memory_space<semaphore_mem>>)
      %dma_wait3A = arith.constant 0 : i32
      %dma_wait3A_75 = arith.constant 0 : i32
      %dma_wait3A_76 = tpu.memref_slice %arg12[%dma_wait3A, %dma_wait3A_75] : memref<128x128xf32, #tpu.memory_space<vmem>> -> memref<128x128xf32, #tpu.memory_space<vmem>>
      %dma_wait3A_77 = arith.constant 0 : i32
      %dma_wait3A_78 = tpu.memref_slice %arg14[%add3A_17, %dma_wait3A_77] : memref<10240x128xf32, #tpu.memory_space<vmem_shared>> -> memref<128x128xf32, #tpu.memory_space<vmem_shared>>
      %dma_wait3A_79 = arith.constant 0 : i32
      %dma_wait3A_80 = tpu.memref_slice %arg14[%add3A_17, %dma_wait3A_79] : memref<10240x128xf32, #tpu.memory_space<vmem_shared>> -> memref<128x128xf32, #tpu.memory_space<vmem_shared>>
      %dma_wait3A_81 = arith.constant 0 : i32
      %dma_wait3A_82 = arith.constant 0 : i32
      %dma_wait3A_83 = tpu.memref_slice %arg12[%dma_wait3A_81, %dma_wait3A_82] : memref<128x128xf32, #tpu.memory_space<vmem>> -> memref<128x128xf32, #tpu.memory_space<vmem>>
      tpu.wait_dma2 semaphore(%run_scoped3A : memref<!tpu.dma_semaphore, #tpu.memory_space<semaphore_mem>>) src(%dma_wait3A_83 : memref<128x128xf32, #tpu.memory_space<vmem>>) dst(%dma_wait3A_80 : memref<128x128xf32, #tpu.memory_space<vmem_shared>>)
      tpu.yield
    }) : () -> ()
    %add3A_18 = arith.constant 128 : i32
    %add3A_19 = arith.addi %mul3A_15, %add3A_18 : i32
    "tpu.region"() ({
      %run_scoped3A = tpu.sem_alloc : memref<!tpu.dma_semaphore, #tpu.memory_space<semaphore_mem>>
      %dma_start3A = arith.constant 0 : i32
      %dma_start3A_66 = arith.constant 0 : i32
      %dma_start3A_67 = tpu.memref_slice %arg12[%dma_start3A, %dma_start3A_66] : memref<128x128xf32, #tpu.memory_space<vmem>> -> memref<128x128xf32, #tpu.memory_space<vmem>>
      %dma_start3A_68 = arith.constant 0 : i32
      %dma_start3A_69 = tpu.memref_slice %arg14[%add3A_19, %dma_start3A_68] : memref<10240x128xf32, #tpu.memory_space<vmem_shared>> -> memref<128x128xf32, #tpu.memory_space<vmem_shared>>
      %dma_start3A_70 = arith.constant 0 : i32
      %dma_start3A_71 = tpu.memref_slice %arg14[%add3A_19, %dma_start3A_70] : memref<10240x128xf32, #tpu.memory_space<vmem_shared>> -> memref<128x128xf32, #tpu.memory_space<vmem_shared>>
      %dma_start3A_72 = arith.constant 0 : i32
      %dma_start3A_73 = arith.constant 0 : i32
      %dma_start3A_74 = tpu.memref_slice %arg12[%dma_start3A_72, %dma_start3A_73] : memref<128x128xf32, #tpu.memory_space<vmem>> -> memref<128x128xf32, #tpu.memory_space<vmem>>
      tpu.enqueue_dma source(%dma_start3A_74 : memref<128x128xf32, #tpu.memory_space<vmem>>) target(%dma_start3A_71 : memref<128x128xf32, #tpu.memory_space<vmem_shared>>) target_semaphore(%run_scoped3A : memref<!tpu.dma_semaphore, #tpu.memory_space<semaphore_mem>>)
      %dma_wait3A = arith.constant 0 : i32
      %dma_wait3A_75 = arith.constant 0 : i32
      %dma_wait3A_76 = tpu.memref_slice %arg12[%dma_wait3A, %dma_wait3A_75] : memref<128x128xf32, #tpu.memory_space<vmem>> -> memref<128x128xf32, #tpu.memory_space<vmem>>
      %dma_wait3A_77 = arith.constant 0 : i32
      %dma_wait3A_78 = tpu.memref_slice %arg14[%add3A_19, %dma_wait3A_77] : memref<10240x128xf32, #tpu.memory_space<vmem_shared>> -> memref<128x128xf32, #tpu.memory_space<vmem_shared>>
      %dma_wait3A_79 = arith.constant 0 : i32
      %dma_wait3A_80 = tpu.memref_slice %arg14[%add3A_19, %dma_wait3A_79] : memref<10240x128xf32, #tpu.memory_space<vmem_shared>> -> memref<128x128xf32, #tpu.memory_space<vmem_shared>>
      %dma_wait3A_81 = arith.constant 0 : i32
      %dma_wait3A_82 = arith.constant 0 : i32
      %dma_wait3A_83 = tpu.memref_slice %arg12[%dma_wait3A_81, %dma_wait3A_82] : memref<128x128xf32, #tpu.memory_space<vmem>> -> memref<128x128xf32, #tpu.memory_space<vmem>>
      tpu.wait_dma2 semaphore(%run_scoped3A : memref<!tpu.dma_semaphore, #tpu.memory_space<semaphore_mem>>) src(%dma_wait3A_83 : memref<128x128xf32, #tpu.memory_space<vmem>>) dst(%dma_wait3A_80 : memref<128x128xf32, #tpu.memory_space<vmem_shared>>)
      tpu.yield
    }) : () -> ()
    %add3A_20 = arith.constant 256 : i32
    %add3A_21 = arith.addi %mul3A_15, %add3A_20 : i32
    "tpu.region"() ({
      %run_scoped3A = tpu.sem_alloc : memref<!tpu.dma_semaphore, #tpu.memory_space<semaphore_mem>>
      %dma_start3A = arith.constant 0 : i32
      %dma_start3A_66 = arith.constant 0 : i32
      %dma_start3A_67 = tpu.memref_slice %arg12[%dma_start3A, %dma_start3A_66] : memref<128x128xf32, #tpu.memory_space<vmem>> -> memref<128x128xf32, #tpu.memory_space<vmem>>
      %dma_start3A_68 = arith.constant 0 : i32
      %dma_start3A_69 = tpu.memref_slice %arg14[%add3A_21, %dma_start3A_68] : memref<10240x128xf32, #tpu.memory_space<vmem_shared>> -> memref<128x128xf32, #tpu.memory_space<vmem_shared>>
      %dma_start3A_70 = arith.constant 0 : i32
      %dma_start3A_71 = tpu.memref_slice %arg14[%add3A_21, %dma_start3A_70] : memref<10240x128xf32, #tpu.memory_space<vmem_shared>> -> memref<128x128xf32, #tpu.memory_space<vmem_shared>>
      %dma_start3A_72 = arith.constant 0 : i32
      %dma_start3A_73 = arith.constant 0 : i32
      %dma_start3A_74 = tpu.memref_slice %arg12[%dma_start3A_72, %dma_start3A_73] : memref<128x128xf32, #tpu.memory_space<vmem>> -> memref<128x128xf32, #tpu.memory_space<vmem>>
      tpu.enqueue_dma source(%dma_start3A_74 : memref<128x128xf32, #tpu.memory_space<vmem>>) target(%dma_start3A_71 : memref<128x128xf32, #tpu.memory_space<vmem_shared>>) target_semaphore(%run_scoped3A : memref<!tpu.dma_semaphore, #tpu.memory_space<semaphore_mem>>)
      %dma_wait3A = arith.constant 0 : i32
      %dma_wait3A_75 = arith.constant 0 : i32
      %dma_wait3A_76 = tpu.memref_slice %arg12[%dma_wait3A, %dma_wait3A_75] : memref<128x128xf32, #tpu.memory_space<vmem>> -> memref<128x128xf32, #tpu.memory_space<vmem>>
      %dma_wait3A_77 = arith.constant 0 : i32
      %dma_wait3A_78 = tpu.memref_slice %arg14[%add3A_21, %dma_wait3A_77] : memref<10240x128xf32, #tpu.memory_space<vmem_shared>> -> memref<128x128xf32, #tpu.memory_space<vmem_shared>>
      %dma_wait3A_79 = arith.constant 0 : i32
      %dma_wait3A_80 = tpu.memref_slice %arg14[%add3A_21, %dma_wait3A_79] : memref<10240x128xf32, #tpu.memory_space<vmem_shared>> -> memref<128x128xf32, #tpu.memory_space<vmem_shared>>
      %dma_wait3A_81 = arith.constant 0 : i32
      %dma_wait3A_82 = arith.constant 0 : i32
      %dma_wait3A_83 = tpu.memref_slice %arg12[%dma_wait3A_81, %dma_wait3A_82] : memref<128x128xf32, #tpu.memory_space<vmem>> -> memref<128x128xf32, #tpu.memory_space<vmem>>
      tpu.wait_dma2 semaphore(%run_scoped3A : memref<!tpu.dma_semaphore, #tpu.memory_space<semaphore_mem>>) src(%dma_wait3A_83 : memref<128x128xf32, #tpu.memory_space<vmem>>) dst(%dma_wait3A_80 : memref<128x128xf32, #tpu.memory_space<vmem_shared>>)
      tpu.yield
    }) : () -> ()
    %add3A_22 = arith.constant 384 : i32
    %add3A_23 = arith.addi %mul3A_15, %add3A_22 : i32
    "tpu.region"() ({
      %run_scoped3A = tpu.sem_alloc : memref<!tpu.dma_semaphore, #tpu.memory_space<semaphore_mem>>
      %dma_start3A = arith.constant 0 : i32
      %dma_start3A_66 = arith.constant 0 : i32
      %dma_start3A_67 = tpu.memref_slice %arg12[%dma_start3A, %dma_start3A_66] : memref<128x128xf32, #tpu.memory_space<vmem>> -> memref<128x128xf32, #tpu.memory_space<vmem>>
      %dma_start3A_68 = arith.constant 0 : i32
      %dma_start3A_69 = tpu.memref_slice %arg14[%add3A_23, %dma_start3A_68] : memref<10240x128xf32, #tpu.memory_space<vmem_shared>> -> memref<128x128xf32, #tpu.memory_space<vmem_shared>>
      %dma_start3A_70 = arith.constant 0 : i32
      %dma_start3A_71 = tpu.memref_slice %arg14[%add3A_23, %dma_start3A_70] : memref<10240x128xf32, #tpu.memory_space<vmem_shared>> -> memref<128x128xf32, #tpu.memory_space<vmem_shared>>
      %dma_start3A_72 = arith.constant 0 : i32
      %dma_start3A_73 = arith.constant 0 : i32
      %dma_start3A_74 = tpu.memref_slice %arg12[%dma_start3A_72, %dma_start3A_73] : memref<128x128xf32, #tpu.memory_space<vmem>> -> memref<128x128xf32, #tpu.memory_space<vmem>>
      tpu.enqueue_dma source(%dma_start3A_74 : memref<128x128xf32, #tpu.memory_space<vmem>>) target(%dma_start3A_71 : memref<128x128xf32, #tpu.memory_space<vmem_shared>>) target_semaphore(%run_scoped3A : memref<!tpu.dma_semaphore, #tpu.memory_space<semaphore_mem>>)
      %dma_wait3A = arith.constant 0 : i32
      %dma_wait3A_75 = arith.constant 0 : i32
      %dma_wait3A_76 = tpu.memref_slice %arg12[%dma_wait3A, %dma_wait3A_75] : memref<128x128xf32, #tpu.memory_space<vmem>> -> memref<128x128xf32, #tpu.memory_space<vmem>>
      %dma_wait3A_77 = arith.constant 0 : i32
      %dma_wait3A_78 = tpu.memref_slice %arg14[%add3A_23, %dma_wait3A_77] : memref<10240x128xf32, #tpu.memory_space<vmem_shared>> -> memref<128x128xf32, #tpu.memory_space<vmem_shared>>
      %dma_wait3A_79 = arith.constant 0 : i32
      %dma_wait3A_80 = tpu.memref_slice %arg14[%add3A_23, %dma_wait3A_79] : memref<10240x128xf32, #tpu.memory_space<vmem_shared>> -> memref<128x128xf32, #tpu.memory_space<vmem_shared>>
      %dma_wait3A_81 = arith.constant 0 : i32
      %dma_wait3A_82 = arith.constant 0 : i32
      %dma_wait3A_83 = tpu.memref_slice %arg12[%dma_wait3A_81, %dma_wait3A_82] : memref<128x128xf32, #tpu.memory_space<vmem>> -> memref<128x128xf32, #tpu.memory_space<vmem>>
      tpu.wait_dma2 semaphore(%run_scoped3A : memref<!tpu.dma_semaphore, #tpu.memory_space<semaphore_mem>>) src(%dma_wait3A_83 : memref<128x128xf32, #tpu.memory_space<vmem>>) dst(%dma_wait3A_80 : memref<128x128xf32, #tpu.memory_space<vmem_shared>>)
      tpu.yield
    }) : () -> ()
    %add3A_24 = arith.constant 512 : i32
    %add3A_25 = arith.addi %mul3A_15, %add3A_24 : i32
    "tpu.region"() ({
      %run_scoped3A = tpu.sem_alloc : memref<!tpu.dma_semaphore, #tpu.memory_space<semaphore_mem>>
      %dma_start3A = arith.constant 0 : i32
      %dma_start3A_66 = arith.constant 0 : i32
      %dma_start3A_67 = tpu.memref_slice %arg12[%dma_start3A, %dma_start3A_66] : memref<128x128xf32, #tpu.memory_space<vmem>> -> memref<128x128xf32, #tpu.memory_space<vmem>>
      %dma_start3A_68 = arith.constant 0 : i32
      %dma_start3A_69 = tpu.memref_slice %arg14[%add3A_25, %dma_start3A_68] : memref<10240x128xf32, #tpu.memory_space<vmem_shared>> -> memref<128x128xf32, #tpu.memory_space<vmem_shared>>
      %dma_start3A_70 = arith.constant 0 : i32
      %dma_start3A_71 = tpu.memref_slice %arg14[%add3A_25, %dma_start3A_70] : memref<10240x128xf32, #tpu.memory_space<vmem_shared>> -> memref<128x128xf32, #tpu.memory_space<vmem_shared>>
      %dma_start3A_72 = arith.constant 0 : i32
      %dma_start3A_73 = arith.constant 0 : i32
      %dma_start3A_74 = tpu.memref_slice %arg12[%dma_start3A_72, %dma_start3A_73] : memref<128x128xf32, #tpu.memory_space<vmem>> -> memref<128x128xf32, #tpu.memory_space<vmem>>
      tpu.enqueue_dma source(%dma_start3A_74 : memref<128x128xf32, #tpu.memory_space<vmem>>) target(%dma_start3A_71 : memref<128x128xf32, #tpu.memory_space<vmem_shared>>) target_semaphore(%run_scoped3A : memref<!tpu.dma_semaphore, #tpu.memory_space<semaphore_mem>>)
      %dma_wait3A = arith.constant 0 : i32
      %dma_wait3A_75 = arith.constant 0 : i32
      %dma_wait3A_76 = tpu.memref_slice %arg12[%dma_wait3A, %dma_wait3A_75] : memref<128x128xf32, #tpu.memory_space<vmem>> -> memref<128x128xf32, #tpu.memory_space<vmem>>
      %dma_wait3A_77 = arith.constant 0 : i32
      %dma_wait3A_78 = tpu.memref_slice %arg14[%add3A_25, %dma_wait3A_77] : memref<10240x128xf32, #tpu.memory_space<vmem_shared>> -> memref<128x128xf32, #tpu.memory_space<vmem_shared>>
      %dma_wait3A_79 = arith.constant 0 : i32
      %dma_wait3A_80 = tpu.memref_slice %arg14[%add3A_25, %dma_wait3A_79] : memref<10240x128xf32, #tpu.memory_space<vmem_shared>> -> memref<128x128xf32, #tpu.memory_space<vmem_shared>>
      %dma_wait3A_81 = arith.constant 0 : i32
      %dma_wait3A_82 = arith.constant 0 : i32
      %dma_wait3A_83 = tpu.memref_slice %arg12[%dma_wait3A_81, %dma_wait3A_82] : memref<128x128xf32, #tpu.memory_space<vmem>> -> memref<128x128xf32, #tpu.memory_space<vmem>>
      tpu.wait_dma2 semaphore(%run_scoped3A : memref<!tpu.dma_semaphore, #tpu.memory_space<semaphore_mem>>) src(%dma_wait3A_83 : memref<128x128xf32, #tpu.memory_space<vmem>>) dst(%dma_wait3A_80 : memref<128x128xf32, #tpu.memory_space<vmem_shared>>)
      tpu.yield
    }) : () -> ()
    %mul3A_26 = arith.constant 80 : i32
    %mul3A_27 = arith.muli %arg1, %mul3A_26 : i32
    "tpu.region"() ({
      %run_scoped3A = tpu.sem_alloc : memref<!tpu.dma_semaphore, #tpu.memory_space<semaphore_mem>>
      %dma_start3A = arith.constant 0 : i32
      %dma_start3A_66 = arith.constant 0 : i32
      %dma_start3A_67 = tpu.memref_slice %arg13[%dma_start3A, %dma_start3A_66] : memref<128x128xf32, #tpu.memory_space<vmem>> -> memref<80x128xf32, #tpu.memory_space<vmem>>
      %dma_start3A_68 = arith.constant 0 : i32
      %dma_start3A_69 = tpu.memref_slice %arg15[%mul3A_27, %dma_start3A_68] : memref<1280x128xf32, #tpu.memory_space<vmem_shared>> -> memref<80x128xf32, #tpu.memory_space<vmem_shared>>
      %dma_start3A_70 = arith.constant 0 : i32
      %dma_start3A_71 = tpu.memref_slice %arg15[%mul3A_27, %dma_start3A_70] : memref<1280x128xf32, #tpu.memory_space<vmem_shared>> -> memref<80x128xf32, #tpu.memory_space<vmem_shared>>
      %dma_start3A_72 = arith.constant 0 : i32
      %dma_start3A_73 = arith.constant 0 : i32
      %dma_start3A_74 = tpu.memref_slice %arg13[%dma_start3A_72, %dma_start3A_73] : memref<128x128xf32, #tpu.memory_space<vmem>> -> memref<80x128xf32, #tpu.memory_space<vmem>>
      tpu.enqueue_dma source(%dma_start3A_74 : memref<80x128xf32, #tpu.memory_space<vmem>>) target(%dma_start3A_71 : memref<80x128xf32, #tpu.memory_space<vmem_shared>>) target_semaphore(%run_scoped3A : memref<!tpu.dma_semaphore, #tpu.memory_space<semaphore_mem>>)
      %dma_wait3A = arith.constant 0 : i32
      %dma_wait3A_75 = arith.constant 0 : i32
      %dma_wait3A_76 = tpu.memref_slice %arg13[%dma_wait3A, %dma_wait3A_75] : memref<128x128xf32, #tpu.memory_space<vmem>> -> memref<80x128xf32, #tpu.memory_space<vmem>>
      %dma_wait3A_77 = arith.constant 0 : i32
      %dma_wait3A_78 = tpu.memref_slice %arg15[%mul3A_27, %dma_wait3A_77] : memref<1280x128xf32, #tpu.memory_space<vmem_shared>> -> memref<80x128xf32, #tpu.memory_space<vmem_shared>>
      %dma_wait3A_79 = arith.constant 0 : i32
      %dma_wait3A_80 = tpu.memref_slice %arg15[%mul3A_27, %dma_wait3A_79] : memref<1280x128xf32, #tpu.memory_space<vmem_shared>> -> memref<80x128xf32, #tpu.memory_space<vmem_shared>>
      %dma_wait3A_81 = arith.constant 0 : i32
      %dma_wait3A_82 = arith.constant 0 : i32
      %dma_wait3A_83 = tpu.memref_slice %arg13[%dma_wait3A_81, %dma_wait3A_82] : memref<128x128xf32, #tpu.memory_space<vmem>> -> memref<80x128xf32, #tpu.memory_space<vmem>>
      tpu.wait_dma2 semaphore(%run_scoped3A : memref<!tpu.dma_semaphore, #tpu.memory_space<semaphore_mem>>) src(%dma_wait3A_83 : memref<80x128xf32, #tpu.memory_space<vmem>>) dst(%dma_wait3A_80 : memref<80x128xf32, #tpu.memory_space<vmem_shared>>)
      tpu.yield
    }) : () -> ()
    %barrier3A = arith.constant 0 : index
    tpu.barrier barrier_id(%barrier3A)
    %scan3A_28 = arith.constant 0 : i32
    %scan3A_29 = arith.constant 0 : i32
    %scan3A_30 = arith.constant 78 : i32
    %scan3A_31 = arith.addi %scan3A_29, %scan3A_30 : i32
    %scan3A_32 = arith.constant 1 : i32
    %scan3A_33 = scf.for %scan3A_66 = %scan3A_29 to %scan3A_31 step %scan3A_32 iter_args(%scan3A_67 = %scan3A_28) -> (i32)  : i32 {
      %mul3A_68 = arith.constant 32 : i32
      %mul3A_69 = arith.muli %scan3A_66, %mul3A_68 : i32
      %add3A_70 = arith.addi %mul3A_69, %add3A : i32
      %mul3A_71 = arith.constant 128 : i32
      %mul3A_72 = arith.muli %add3A_70, %mul3A_71 : i32
      "tpu.region"() ({
        %run_scoped3A = tpu.sem_alloc : memref<!tpu.dma_semaphore, #tpu.memory_space<semaphore_mem>>
        %dma_start3A_215 = tpu.memref_slice %arg2[%mul3A_72] : memref<320000xi32, #tpu.memory_space<hbm>> -> memref<128xi32, #tpu.memory_space<hbm>>
        %dma_start3A_216 = tpu.memref_slice %arg2[%mul3A_72] : memref<320000xi32, #tpu.memory_space<hbm>> -> memref<128xi32, #tpu.memory_space<hbm>>
        tpu.enqueue_dma source(%dma_start3A_216 : memref<128xi32, #tpu.memory_space<hbm>>) target(%arg8 : memref<128xi32, #tpu.memory_space<vmem>>) target_semaphore(%run_scoped3A : memref<!tpu.dma_semaphore, #tpu.memory_space<semaphore_mem>>)
        %dma_wait3A_217 = tpu.memref_slice %arg2[%mul3A_72] : memref<320000xi32, #tpu.memory_space<hbm>> -> memref<128xi32, #tpu.memory_space<hbm>>
        %dma_wait3A_218 = tpu.memref_slice %arg2[%mul3A_72] : memref<320000xi32, #tpu.memory_space<hbm>> -> memref<128xi32, #tpu.memory_space<hbm>>
        tpu.wait_dma2 semaphore(%run_scoped3A : memref<!tpu.dma_semaphore, #tpu.memory_space<semaphore_mem>>) src(%dma_wait3A_218 : memref<128xi32, #tpu.memory_space<hbm>>) dst(%arg8 : memref<128xi32, #tpu.memory_space<vmem>>)
        tpu.yield
      }) : () -> ()
      "tpu.region"() ({
        %run_scoped3A = tpu.sem_alloc : memref<!tpu.dma_semaphore, #tpu.memory_space<semaphore_mem>>
        %dma_start3A_215 = tpu.memref_slice %arg3[%mul3A_72] : memref<320000xi32, #tpu.memory_space<hbm>> -> memref<128xi32, #tpu.memory_space<hbm>>
        %dma_start3A_216 = tpu.memref_slice %arg3[%mul3A_72] : memref<320000xi32, #tpu.memory_space<hbm>> -> memref<128xi32, #tpu.memory_space<hbm>>
        tpu.enqueue_dma source(%dma_start3A_216 : memref<128xi32, #tpu.memory_space<hbm>>) target(%arg9 : memref<128xi32, #tpu.memory_space<vmem>>) target_semaphore(%run_scoped3A : memref<!tpu.dma_semaphore, #tpu.memory_space<semaphore_mem>>)
        %dma_wait3A_217 = tpu.memref_slice %arg3[%mul3A_72] : memref<320000xi32, #tpu.memory_space<hbm>> -> memref<128xi32, #tpu.memory_space<hbm>>
        %dma_wait3A_218 = tpu.memref_slice %arg3[%mul3A_72] : memref<320000xi32, #tpu.memory_space<hbm>> -> memref<128xi32, #tpu.memory_space<hbm>>
        tpu.wait_dma2 semaphore(%run_scoped3A : memref<!tpu.dma_semaphore, #tpu.memory_space<semaphore_mem>>) src(%dma_wait3A_218 : memref<128xi32, #tpu.memory_space<hbm>>) dst(%arg9 : memref<128xi32, #tpu.memory_space<vmem>>)
        tpu.yield
      }) : () -> ()
      %get3A = arith.constant 0 : index
      %get3A_73 = tpu.vector_load %arg9[%get3A] {strides = array<i32>} : memref<128xi32, #tpu.memory_space<vmem>>, vector<16xi32>,
      %get3A_74 = vector.shape_cast %get3A_73 : vector<16xi32> to vector<16xi32>
      %broadcast_in_dim3A = arith.constant 7 : i32
      %broadcast_in_dim3A_75 = vector.broadcast %broadcast_in_dim3A : i32 to vector<16xi32>
      %and3A = arith.andi %get3A_74, %broadcast_in_dim3A_75 : vector<16xi32>
      %swap3A = arith.constant 0 : index
      %swap3A_76 = tpu.vector_load %arg10[%swap3A] {strides = array<i32>} : memref<128xi32, #tpu.memory_space<vmem>>, vector<16xi32>,
      %swap3A_77 = vector.shape_cast %swap3A_76 : vector<16xi32> to vector<16xi32>
      %swap3A_78 = vector.shape_cast %and3A : vector<16xi32> to vector<16xi32>
      tpu.vector_store %arg10[%swap3A], %swap3A_78 {strides = array<i32>} : memref<128xi32, #tpu.memory_space<vmem>>, vector<16xi32>,
      %broadcast_in_dim3A_79 = arith.constant 3 : i32
      %broadcast_in_dim3A_80 = vector.broadcast %broadcast_in_dim3A_79 : i32 to vector<16xi32>
      %shift_right_logical3A = arith.shrui %get3A_74, %broadcast_in_dim3A_80 : vector<16xi32>
      %swap3A_81 = arith.constant 0 : index
      %swap3A_82 = tpu.vector_load %arg11[%swap3A_81] {strides = array<i32>} : memref<128xi32, #tpu.memory_space<vmem>>, vector<16xi32>,
      %swap3A_83 = vector.shape_cast %swap3A_82 : vector<16xi32> to vector<16xi32>
      %swap3A_84 = vector.shape_cast %shift_right_logical3A : vector<16xi32> to vector<16xi32>
      tpu.vector_store %arg11[%swap3A_81], %swap3A_84 {strides = array<i32>} : memref<128xi32, #tpu.memory_space<vmem>>, vector<16xi32>,
      %get3A_85 = arith.constant 16 : index
      %get3A_86 = tpu.vector_load %arg9[%get3A_85] {strides = array<i32>} : memref<128xi32, #tpu.memory_space<vmem>>, vector<16xi32>,
      %get3A_87 = vector.shape_cast %get3A_86 : vector<16xi32> to vector<16xi32>
      %broadcast_in_dim3A_88 = arith.constant 7 : i32
      %broadcast_in_dim3A_89 = vector.broadcast %broadcast_in_dim3A_88 : i32 to vector<16xi32>
      %and3A_90 = arith.andi %get3A_87, %broadcast_in_dim3A_89 : vector<16xi32>
      %swap3A_91 = arith.constant 16 : index
      %swap3A_92 = tpu.vector_load %arg10[%swap3A_91] {strides = array<i32>} : memref<128xi32, #tpu.memory_space<vmem>>, vector<16xi32>,
      %swap3A_93 = vector.shape_cast %swap3A_92 : vector<16xi32> to vector<16xi32>
      %swap3A_94 = vector.shape_cast %and3A_90 : vector<16xi32> to vector<16xi32>
      tpu.vector_store %arg10[%swap3A_91], %swap3A_94 {strides = array<i32>} : memref<128xi32, #tpu.memory_space<vmem>>, vector<16xi32>,
      %broadcast_in_dim3A_95 = arith.constant 3 : i32
      %broadcast_in_dim3A_96 = vector.broadcast %broadcast_in_dim3A_95 : i32 to vector<16xi32>
      %shift_right_logical3A_97 = arith.shrui %get3A_87, %broadcast_in_dim3A_96 : vector<16xi32>
      %swap3A_98 = arith.constant 16 : index
      %swap3A_99 = tpu.vector_load %arg11[%swap3A_98] {strides = array<i32>} : memref<128xi32, #tpu.memory_space<vmem>>, vector<16xi32>,
      %swap3A_100 = vector.shape_cast %swap3A_99 : vector<16xi32> to vector<16xi32>
      %swap3A_101 = vector.shape_cast %shift_right_logical3A_97 : vector<16xi32> to vector<16xi32>
      tpu.vector_store %arg11[%swap3A_98], %swap3A_101 {strides = array<i32>} : memref<128xi32, #tpu.memory_space<vmem>>, vector<16xi32>,
      %get3A_102 = arith.constant 32 : index
      %get3A_103 = tpu.vector_load %arg9[%get3A_102] {strides = array<i32>} : memref<128xi32, #tpu.memory_space<vmem>>, vector<16xi32>,
      %get3A_104 = vector.shape_cast %get3A_103 : vector<16xi32> to vector<16xi32>
      %broadcast_in_dim3A_105 = arith.constant 7 : i32
      %broadcast_in_dim3A_106 = vector.broadcast %broadcast_in_dim3A_105 : i32 to vector<16xi32>
      %and3A_107 = arith.andi %get3A_104, %broadcast_in_dim3A_106 : vector<16xi32>
      %swap3A_108 = arith.constant 32 : index
      %swap3A_109 = tpu.vector_load %arg10[%swap3A_108] {strides = array<i32>} : memref<128xi32, #tpu.memory_space<vmem>>, vector<16xi32>,
      %swap3A_110 = vector.shape_cast %swap3A_109 : vector<16xi32> to vector<16xi32>
      %swap3A_111 = vector.shape_cast %and3A_107 : vector<16xi32> to vector<16xi32>
      tpu.vector_store %arg10[%swap3A_108], %swap3A_111 {strides = array<i32>} : memref<128xi32, #tpu.memory_space<vmem>>, vector<16xi32>,
      %broadcast_in_dim3A_112 = arith.constant 3 : i32
      %broadcast_in_dim3A_113 = vector.broadcast %broadcast_in_dim3A_112 : i32 to vector<16xi32>
      %shift_right_logical3A_114 = arith.shrui %get3A_104, %broadcast_in_dim3A_113 : vector<16xi32>
      %swap3A_115 = arith.constant 32 : index
      %swap3A_116 = tpu.vector_load %arg11[%swap3A_115] {strides = array<i32>} : memref<128xi32, #tpu.memory_space<vmem>>, vector<16xi32>,
      %swap3A_117 = vector.shape_cast %swap3A_116 : vector<16xi32> to vector<16xi32>
      %swap3A_118 = vector.shape_cast %shift_right_logical3A_114 : vector<16xi32> to vector<16xi32>
      tpu.vector_store %arg11[%swap3A_115], %swap3A_118 {strides = array<i32>} : memref<128xi32, #tpu.memory_space<vmem>>, vector<16xi32>,
      %get3A_119 = arith.constant 48 : index
      %get3A_120 = tpu.vector_load %arg9[%get3A_119] {strides = array<i32>} : memref<128xi32, #tpu.memory_space<vmem>>, vector<16xi32>,
      %get3A_121 = vector.shape_cast %get3A_120 : vector<16xi32> to vector<16xi32>
      %broadcast_in_dim3A_122 = arith.constant 7 : i32
      %broadcast_in_dim3A_123 = vector.broadcast %broadcast_in_dim3A_122 : i32 to vector<16xi32>
      %and3A_124 = arith.andi %get3A_121, %broadcast_in_dim3A_123 : vector<16xi32>
      %swap3A_125 = arith.constant 48 : index
      %swap3A_126 = tpu.vector_load %arg10[%swap3A_125] {strides = array<i32>} : memref<128xi32, #tpu.memory_space<vmem>>, vector<16xi32>,
      %swap3A_127 = vector.shape_cast %swap3A_126 : vector<16xi32> to vector<16xi32>
      %swap3A_128 = vector.shape_cast %and3A_124 : vector<16xi32> to vector<16xi32>
      tpu.vector_store %arg10[%swap3A_125], %swap3A_128 {strides = array<i32>} : memref<128xi32, #tpu.memory_space<vmem>>, vector<16xi32>,
      %broadcast_in_dim3A_129 = arith.constant 3 : i32
      %broadcast_in_dim3A_130 = vector.broadcast %broadcast_in_dim3A_129 : i32 to vector<16xi32>
      %shift_right_logical3A_131 = arith.shrui %get3A_121, %broadcast_in_dim3A_130 : vector<16xi32>
      %swap3A_132 = arith.constant 48 : index
      %swap3A_133 = tpu.vector_load %arg11[%swap3A_132] {strides = array<i32>} : memref<128xi32, #tpu.memory_space<vmem>>, vector<16xi32>,
      %swap3A_134 = vector.shape_cast %swap3A_133 : vector<16xi32> to vector<16xi32>
      %swap3A_135 = vector.shape_cast %shift_right_logical3A_131 : vector<16xi32> to vector<16xi32>
      tpu.vector_store %arg11[%swap3A_132], %swap3A_135 {strides = array<i32>} : memref<128xi32, #tpu.memory_space<vmem>>, vector<16xi32>,
      %get3A_136 = arith.constant 64 : index
      %get3A_137 = tpu.vector_load %arg9[%get3A_136] {strides = array<i32>} : memref<128xi32, #tpu.memory_space<vmem>>, vector<16xi32>,
      %get3A_138 = vector.shape_cast %get3A_137 : vector<16xi32> to vector<16xi32>
      %broadcast_in_dim3A_139 = arith.constant 7 : i32
      %broadcast_in_dim3A_140 = vector.broadcast %broadcast_in_dim3A_139 : i32 to vector<16xi32>
      %and3A_141 = arith.andi %get3A_138, %broadcast_in_dim3A_140 : vector<16xi32>
      %swap3A_142 = arith.constant 64 : index
      %swap3A_143 = tpu.vector_load %arg10[%swap3A_142] {strides = array<i32>} : memref<128xi32, #tpu.memory_space<vmem>>, vector<16xi32>,
      %swap3A_144 = vector.shape_cast %swap3A_143 : vector<16xi32> to vector<16xi32>
      %swap3A_145 = vector.shape_cast %and3A_141 : vector<16xi32> to vector<16xi32>
      tpu.vector_store %arg10[%swap3A_142], %swap3A_145 {strides = array<i32>} : memref<128xi32, #tpu.memory_space<vmem>>, vector<16xi32>,
      %broadcast_in_dim3A_146 = arith.constant 3 : i32
      %broadcast_in_dim3A_147 = vector.broadcast %broadcast_in_dim3A_146 : i32 to vector<16xi32>
      %shift_right_logical3A_148 = arith.shrui %get3A_138, %broadcast_in_dim3A_147 : vector<16xi32>
      %swap3A_149 = arith.constant 64 : index
      %swap3A_150 = tpu.vector_load %arg11[%swap3A_149] {strides = array<i32>} : memref<128xi32, #tpu.memory_space<vmem>>, vector<16xi32>,
      %swap3A_151 = vector.shape_cast %swap3A_150 : vector<16xi32> to vector<16xi32>
      %swap3A_152 = vector.shape_cast %shift_right_logical3A_148 : vector<16xi32> to vector<16xi32>
      tpu.vector_store %arg11[%swap3A_149], %swap3A_152 {strides = array<i32>} : memref<128xi32, #tpu.memory_space<vmem>>, vector<16xi32>,
      %get3A_153 = arith.constant 80 : index
      %get3A_154 = tpu.vector_load %arg9[%get3A_153] {strides = array<i32>} : memref<128xi32, #tpu.memory_space<vmem>>, vector<16xi32>,
      %get3A_155 = vector.shape_cast %get3A_154 : vector<16xi32> to vector<16xi32>
      %broadcast_in_dim3A_156 = arith.constant 7 : i32
      %broadcast_in_dim3A_157 = vector.broadcast %broadcast_in_dim3A_156 : i32 to vector<16xi32>
      %and3A_158 = arith.andi %get3A_155, %broadcast_in_dim3A_157 : vector<16xi32>
      %swap3A_159 = arith.constant 80 : index
      %swap3A_160 = tpu.vector_load %arg10[%swap3A_159] {strides = array<i32>} : memref<128xi32, #tpu.memory_space<vmem>>, vector<16xi32>,
      %swap3A_161 = vector.shape_cast %swap3A_160 : vector<16xi32> to vector<16xi32>
      %swap3A_162 = vector.shape_cast %and3A_158 : vector<16xi32> to vector<16xi32>
      tpu.vector_store %arg10[%swap3A_159], %swap3A_162 {strides = array<i32>} : memref<128xi32, #tpu.memory_space<vmem>>, vector<16xi32>,
      %broadcast_in_dim3A_163 = arith.constant 3 : i32
      %broadcast_in_dim3A_164 = vector.broadcast %broadcast_in_dim3A_163 : i32 to vector<16xi32>
      %shift_right_logical3A_165 = arith.shrui %get3A_155, %broadcast_in_dim3A_164 : vector<16xi32>
      %swap3A_166 = arith.constant 80 : index
      %swap3A_167 = tpu.vector_load %arg11[%swap3A_166] {strides = array<i32>} : memref<128xi32, #tpu.memory_space<vmem>>, vector<16xi32>,
      %swap3A_168 = vector.shape_cast %swap3A_167 : vector<16xi32> to vector<16xi32>
      %swap3A_169 = vector.shape_cast %shift_right_logical3A_165 : vector<16xi32> to vector<16xi32>
      tpu.vector_store %arg11[%swap3A_166], %swap3A_169 {strides = array<i32>} : memref<128xi32, #tpu.memory_space<vmem>>, vector<16xi32>,
      %get3A_170 = arith.constant 96 : index
      %get3A_171 = tpu.vector_load %arg9[%get3A_170] {strides = array<i32>} : memref<128xi32, #tpu.memory_space<vmem>>, vector<16xi32>,
      %get3A_172 = vector.shape_cast %get3A_171 : vector<16xi32> to vector<16xi32>
      %broadcast_in_dim3A_173 = arith.constant 7 : i32
      %broadcast_in_dim3A_174 = vector.broadcast %broadcast_in_dim3A_173 : i32 to vector<16xi32>
      %and3A_175 = arith.andi %get3A_172, %broadcast_in_dim3A_174 : vector<16xi32>
      %swap3A_176 = arith.constant 96 : index
      %swap3A_177 = tpu.vector_load %arg10[%swap3A_176] {strides = array<i32>} : memref<128xi32, #tpu.memory_space<vmem>>, vector<16xi32>,
      %swap3A_178 = vector.shape_cast %swap3A_177 : vector<16xi32> to vector<16xi32>
      %swap3A_179 = vector.shape_cast %and3A_175 : vector<16xi32> to vector<16xi32>
      tpu.vector_store %arg10[%swap3A_176], %swap3A_179 {strides = array<i32>} : memref<128xi32, #tpu.memory_space<vmem>>, vector<16xi32>,
      %broadcast_in_dim3A_180 = arith.constant 3 : i32
      %broadcast_in_dim3A_181 = vector.broadcast %broadcast_in_dim3A_180 : i32 to vector<16xi32>
      %shift_right_logical3A_182 = arith.shrui %get3A_172, %broadcast_in_dim3A_181 : vector<16xi32>
      %swap3A_183 = arith.constant 96 : index
      %swap3A_184 = tpu.vector_load %arg11[%swap3A_183] {strides = array<i32>} : memref<128xi32, #tpu.memory_space<vmem>>, vector<16xi32>,
      %swap3A_185 = vector.shape_cast %swap3A_184 : vector<16xi32> to vector<16xi32>
      %swap3A_186 = vector.shape_cast %shift_right_logical3A_182 : vector<16xi32> to vector<16xi32>
      tpu.vector_store %arg11[%swap3A_183], %swap3A_186 {strides = array<i32>} : memref<128xi32, #tpu.memory_space<vmem>>, vector<16xi32>,
      %get3A_187 = arith.constant 112 : index
      %get3A_188 = tpu.vector_load %arg9[%get3A_187] {strides = array<i32>} : memref<128xi32, #tpu.memory_space<vmem>>, vector<16xi32>,
      %get3A_189 = vector.shape_cast %get3A_188 : vector<16xi32> to vector<16xi32>
      %broadcast_in_dim3A_190 = arith.constant 7 : i32
      %broadcast_in_dim3A_191 = vector.broadcast %broadcast_in_dim3A_190 : i32 to vector<16xi32>
      %and3A_192 = arith.andi %get3A_189, %broadcast_in_dim3A_191 : vector<16xi32>
      %swap3A_193 = arith.constant 112 : index
      %swap3A_194 = tpu.vector_load %arg10[%swap3A_193] {strides = array<i32>} : memref<128xi32, #tpu.memory_space<vmem>>, vector<16xi32>,
      %swap3A_195 = vector.shape_cast %swap3A_194 : vector<16xi32> to vector<16xi32>
      %swap3A_196 = vector.shape_cast %and3A_192 : vector<16xi32> to vector<16xi32>
      tpu.vector_store %arg10[%swap3A_193], %swap3A_196 {strides = array<i32>} : memref<128xi32, #tpu.memory_space<vmem>>, vector<16xi32>,
      %broadcast_in_dim3A_197 = arith.constant 3 : i32
      %broadcast_in_dim3A_198 = vector.broadcast %broadcast_in_dim3A_197 : i32 to vector<16xi32>
      %shift_right_logical3A_199 = arith.shrui %get3A_189, %broadcast_in_dim3A_198 : vector<16xi32>
      %swap3A_200 = arith.constant 112 : index
      %swap3A_201 = tpu.vector_load %arg11[%swap3A_200] {strides = array<i32>} : memref<128xi32, #tpu.memory_space<vmem>>, vector<16xi32>,
      %swap3A_202 = vector.shape_cast %swap3A_201 : vector<16xi32> to vector<16xi32>
      %swap3A_203 = vector.shape_cast %shift_right_logical3A_199 : vector<16xi32> to vector<16xi32>
      tpu.vector_store %arg11[%swap3A_200], %swap3A_203 {strides = array<i32>} : memref<128xi32, #tpu.memory_space<vmem>>, vector<16xi32>,
      %dma_start3A = arith.constant 0 : i32
      %dma_start3A_204 = arith.constant 0 : i32
      %dma_start3A_205 = tpu.memref_slice %arg4[%dma_start3A, %dma_start3A_204] : memref<10000x128xf32, #tpu.memory_space<hbm>> -> memref<10000x128xf32, #tpu.memory_space<hbm>>
      tpu.enqueue_indirect_dma source(%dma_start3A_205 : memref<10000x128xf32, #tpu.memory_space<hbm>>) target(%arg12 : memref<128x128xf32, #tpu.memory_space<vmem>>) offsets(%arg8 : memref<128xi32, #tpu.memory_space<vmem>>) semaphore(%arg16 : memref<!tpu.dma_semaphore, #tpu.memory_space<semaphore_mem>>)
      %dma_start3A_206 = arith.constant 0 : i32
      %dma_start3A_207 = arith.constant 0 : i32
      %dma_start3A_208 = tpu.memref_slice %arg5[%dma_start3A_206, %dma_start3A_207] : memref<8x128xf32, #tpu.memory_space<hbm>> -> memref<8x128xf32, #tpu.memory_space<hbm>>
      tpu.enqueue_indirect_dma source(%dma_start3A_208 : memref<8x128xf32, #tpu.memory_space<hbm>>) target(%arg13 : memref<128x128xf32, #tpu.memory_space<vmem>>) offsets(%arg10 : memref<128xi32, #tpu.memory_space<vmem>>) semaphore(%arg17 : memref<!tpu.dma_semaphore, #tpu.memory_space<semaphore_mem>>)
      %dma_wait3A = arith.constant 0 : i32
      %dma_wait3A_209 = arith.constant 0 : i32
      %dma_wait3A_210 = tpu.memref_slice %arg4[%dma_wait3A, %dma_wait3A_209] : memref<10000x128xf32, #tpu.memory_space<hbm>> -> memref<10000x128xf32, #tpu.memory_space<hbm>>
      tpu.wait_indirect_dma semaphore(%arg16 : memref<!tpu.dma_semaphore, #tpu.memory_space<semaphore_mem>>) src(%dma_wait3A_210 : memref<10000x128xf32, #tpu.memory_space<hbm>>) dst(%arg12 : memref<128x128xf32, #tpu.memory_space<vmem>>)
      "tpu.region"() ({
        %run_scoped3A = tpu.sem_alloc : memref<!tpu.dma_semaphore, #tpu.memory_space<semaphore_mem>>
        %dma_start3A_215 = arith.constant 0 : i32
        %dma_start3A_216 = arith.constant 0 : i32
        %dma_start3A_217 = tpu.memref_slice %arg14[%dma_start3A_215, %dma_start3A_216] : memref<10240x128xf32, #tpu.memory_space<vmem_shared>> -> memref<10240x128xf32, #tpu.memory_space<vmem_shared>>
        tpu.enqueue_indirect_dma source(%arg12 : memref<128x128xf32, #tpu.memory_space<vmem>>) target(%dma_start3A_217 : memref<10240x128xf32, #tpu.memory_space<vmem_shared>>) offsets(%arg9 : memref<128xi32, #tpu.memory_space<vmem>>) semaphore(%run_scoped3A : memref<!tpu.dma_semaphore, #tpu.memory_space<semaphore_mem>>) {add = true}
        %dma_wait3A_218 = arith.constant 0 : i32
        %dma_wait3A_219 = arith.constant 0 : i32
        %dma_wait3A_220 = tpu.memref_slice %arg14[%dma_wait3A_218, %dma_wait3A_219] : memref<10240x128xf32, #tpu.memory_space<vmem_shared>> -> memref<10240x128xf32, #tpu.memory_space<vmem_shared>>
        tpu.wait_indirect_dma semaphore(%run_scoped3A : memref<!tpu.dma_semaphore, #tpu.memory_space<semaphore_mem>>) src(%arg12 : memref<128x128xf32, #tpu.memory_space<vmem>>) dst(%dma_wait3A_220 : memref<10240x128xf32, #tpu.memory_space<vmem_shared>>)
        tpu.yield
      }) : () -> ()
      %dma_wait3A_211 = arith.constant 0 : i32
      %dma_wait3A_212 = arith.constant 0 : i32
      %dma_wait3A_213 = tpu.memref_slice %arg5[%dma_wait3A_211, %dma_wait3A_212] : memref<8x128xf32, #tpu.memory_space<hbm>> -> memref<8x128xf32, #tpu.memory_space<hbm>>
      tpu.wait_indirect_dma semaphore(%arg17 : memref<!tpu.dma_semaphore, #tpu.memory_space<semaphore_mem>>) src(%dma_wait3A_213 : memref<8x128xf32, #tpu.memory_space<hbm>>) dst(%arg13 : memref<128x128xf32, #tpu.memory_space<vmem>>)
      "tpu.region"() ({
        %run_scoped3A = tpu.sem_alloc : memref<!tpu.dma_semaphore, #tpu.memory_space<semaphore_mem>>
        %dma_start3A_215 = arith.constant 0 : i32
        %dma_start3A_216 = arith.constant 0 : i32
        %dma_start3A_217 = tpu.memref_slice %arg15[%dma_start3A_215, %dma_start3A_216] : memref<1280x128xf32, #tpu.memory_space<vmem_shared>> -> memref<1280x128xf32, #tpu.memory_space<vmem_shared>>
        tpu.enqueue_indirect_dma source(%arg13 : memref<128x128xf32, #tpu.memory_space<vmem>>) target(%dma_start3A_217 : memref<1280x128xf32, #tpu.memory_space<vmem_shared>>) offsets(%arg11 : memref<128xi32, #tpu.memory_space<vmem>>) semaphore(%run_scoped3A : memref<!tpu.dma_semaphore, #tpu.memory_space<semaphore_mem>>) {add = true}
        %dma_wait3A_218 = arith.constant 0 : i32
        %dma_wait3A_219 = arith.constant 0 : i32
        %dma_wait3A_220 = tpu.memref_slice %arg15[%dma_wait3A_218, %dma_wait3A_219] : memref<1280x128xf32, #tpu.memory_space<vmem_shared>> -> memref<1280x128xf32, #tpu.memory_space<vmem_shared>>
        tpu.wait_indirect_dma semaphore(%run_scoped3A : memref<!tpu.dma_semaphore, #tpu.memory_space<semaphore_mem>>) src(%arg13 : memref<128x128xf32, #tpu.memory_space<vmem>>) dst(%dma_wait3A_220 : memref<1280x128xf32, #tpu.memory_space<vmem_shared>>)
        tpu.yield
      }) : () -> ()
      %scan3A_214 = arith.constant 0 : i32
      scf.yield %scan3A_214 : i32
    }
    %scan3A_34 = arith.constant 78 : i32
    %lt3A = arith.constant 4 : i32
    %lt3A_35 = arith.cmpi slt, %add3A, %lt3A : i32
    %convert_element_type3A = arith.extui %lt3A_35 : i1 to i32
    %cond3A = arith.constant 0 : i32
    %cond3A_36 = arith.cmpi ne, %convert_element_type3A, %cond3A : i32
    scf.if %cond3A_36 {
      %add3A_66 = arith.constant 2496 : i32
      %add3A_67 = arith.addi %add3A_66, %add3A : i32
      %mul3A_68 = arith.constant 128 : i32
      %mul3A_69 = arith.muli %add3A_67, %mul3A_68 : i32
      "tpu.region"() ({
        %run_scoped3A = tpu.sem_alloc : memref<!tpu.dma_semaphore, #tpu.memory_space<semaphore_mem>>
        %dma_start3A_211 = tpu.memref_slice %arg2[%mul3A_69] : memref<320000xi32, #tpu.memory_space<hbm>> -> memref<128xi32, #tpu.memory_space<hbm>>
        %dma_start3A_212 = tpu.memref_slice %arg2[%mul3A_69] : memref<320000xi32, #tpu.memory_space<hbm>> -> memref<128xi32, #tpu.memory_space<hbm>>
        tpu.enqueue_dma source(%dma_start3A_212 : memref<128xi32, #tpu.memory_space<hbm>>) target(%arg8 : memref<128xi32, #tpu.memory_space<vmem>>) target_semaphore(%run_scoped3A : memref<!tpu.dma_semaphore, #tpu.memory_space<semaphore_mem>>)
        %dma_wait3A_213 = tpu.memref_slice %arg2[%mul3A_69] : memref<320000xi32, #tpu.memory_space<hbm>> -> memref<128xi32, #tpu.memory_space<hbm>>
        %dma_wait3A_214 = tpu.memref_slice %arg2[%mul3A_69] : memref<320000xi32, #tpu.memory_space<hbm>> -> memref<128xi32, #tpu.memory_space<hbm>>
        tpu.wait_dma2 semaphore(%run_scoped3A : memref<!tpu.dma_semaphore, #tpu.memory_space<semaphore_mem>>) src(%dma_wait3A_214 : memref<128xi32, #tpu.memory_space<hbm>>) dst(%arg8 : memref<128xi32, #tpu.memory_space<vmem>>)
        tpu.yield
      }) : () -> ()
      "tpu.region"() ({
        %run_scoped3A = tpu.sem_alloc : memref<!tpu.dma_semaphore, #tpu.memory_space<semaphore_mem>>
        %dma_start3A_211 = tpu.memref_slice %arg3[%mul3A_69] : memref<320000xi32, #tpu.memory_space<hbm>> -> memref<128xi32, #tpu.memory_space<hbm>>
        %dma_start3A_212 = tpu.memref_slice %arg3[%mul3A_69] : memref<320000xi32, #tpu.memory_space<hbm>> -> memref<128xi32, #tpu.memory_space<hbm>>
        tpu.enqueue_dma source(%dma_start3A_212 : memref<128xi32, #tpu.memory_space<hbm>>) target(%arg9 : memref<128xi32, #tpu.memory_space<vmem>>) target_semaphore(%run_scoped3A : memref<!tpu.dma_semaphore, #tpu.memory_space<semaphore_mem>>)
        %dma_wait3A_213 = tpu.memref_slice %arg3[%mul3A_69] : memref<320000xi32, #tpu.memory_space<hbm>> -> memref<128xi32, #tpu.memory_space<hbm>>
        %dma_wait3A_214 = tpu.memref_slice %arg3[%mul3A_69] : memref<320000xi32, #tpu.memory_space<hbm>> -> memref<128xi32, #tpu.memory_space<hbm>>
        tpu.wait_dma2 semaphore(%run_scoped3A : memref<!tpu.dma_semaphore, #tpu.memory_space<semaphore_mem>>) src(%dma_wait3A_214 : memref<128xi32, #tpu.memory_space<hbm>>) dst(%arg9 : memref<128xi32, #tpu.memory_space<vmem>>)
        tpu.yield
      }) : () -> ()
      %get3A = arith.constant 0 : index
      %get3A_70 = tpu.vector_load %arg9[%get3A] {strides = array<i32>} : memref<128xi32, #tpu.memory_space<vmem>>, vector<16xi32>,
      %get3A_71 = vector.shape_cast %get3A_70 : vector<16xi32> to vector<16xi32>
      %broadcast_in_dim3A = arith.constant 7 : i32
      %broadcast_in_dim3A_72 = vector.broadcast %broadcast_in_dim3A : i32 to vector<16xi32>
      %and3A = arith.andi %get3A_71, %broadcast_in_dim3A_72 : vector<16xi32>
      %swap3A = arith.constant 0 : index
      %swap3A_73 = tpu.vector_load %arg10[%swap3A] {strides = array<i32>} : memref<128xi32, #tpu.memory_space<vmem>>, vector<16xi32>,
      %swap3A_74 = vector.shape_cast %swap3A_73 : vector<16xi32> to vector<16xi32>
      %swap3A_75 = vector.shape_cast %and3A : vector<16xi32> to vector<16xi32>
      tpu.vector_store %arg10[%swap3A], %swap3A_75 {strides = array<i32>} : memref<128xi32, #tpu.memory_space<vmem>>, vector<16xi32>,
      %broadcast_in_dim3A_76 = arith.constant 3 : i32
      %broadcast_in_dim3A_77 = vector.broadcast %broadcast_in_dim3A_76 : i32 to vector<16xi32>
      %shift_right_logical3A = arith.shrui %get3A_71, %broadcast_in_dim3A_77 : vector<16xi32>
      %swap3A_78 = arith.constant 0 : index
      %swap3A_79 = tpu.vector_load %arg11[%swap3A_78] {strides = array<i32>} : memref<128xi32, #tpu.memory_space<vmem>>, vector<16xi32>,
      %swap3A_80 = vector.shape_cast %swap3A_79 : vector<16xi32> to vector<16xi32>
      %swap3A_81 = vector.shape_cast %shift_right_logical3A : vector<16xi32> to vector<16xi32>
      tpu.vector_store %arg11[%swap3A_78], %swap3A_81 {strides = array<i32>} : memref<128xi32, #tpu.memory_space<vmem>>, vector<16xi32>,
      %get3A_82 = arith.constant 16 : index
      %get3A_83 = tpu.vector_load %arg9[%get3A_82] {strides = array<i32>} : memref<128xi32, #tpu.memory_space<vmem>>, vector<16xi32>,
      %get3A_84 = vector.shape_cast %get3A_83 : vector<16xi32> to vector<16xi32>
      %broadcast_in_dim3A_85 = arith.constant 7 : i32
      %broadcast_in_dim3A_86 = vector.broadcast %broadcast_in_dim3A_85 : i32 to vector<16xi32>
      %and3A_87 = arith.andi %get3A_84, %broadcast_in_dim3A_86 : vector<16xi32>
      %swap3A_88 = arith.constant 16 : index
      %swap3A_89 = tpu.vector_load %arg10[%swap3A_88] {strides = array<i32>} : memref<128xi32, #tpu.memory_space<vmem>>, vector<16xi32>,
      %swap3A_90 = vector.shape_cast %swap3A_89 : vector<16xi32> to vector<16xi32>
      %swap3A_91 = vector.shape_cast %and3A_87 : vector<16xi32> to vector<16xi32>
      tpu.vector_store %arg10[%swap3A_88], %swap3A_91 {strides = array<i32>} : memref<128xi32, #tpu.memory_space<vmem>>, vector<16xi32>,
      %broadcast_in_dim3A_92 = arith.constant 3 : i32
      %broadcast_in_dim3A_93 = vector.broadcast %broadcast_in_dim3A_92 : i32 to vector<16xi32>
      %shift_right_logical3A_94 = arith.shrui %get3A_84, %broadcast_in_dim3A_93 : vector<16xi32>
      %swap3A_95 = arith.constant 16 : index
      %swap3A_96 = tpu.vector_load %arg11[%swap3A_95] {strides = array<i32>} : memref<128xi32, #tpu.memory_space<vmem>>, vector<16xi32>,
      %swap3A_97 = vector.shape_cast %swap3A_96 : vector<16xi32> to vector<16xi32>
      %swap3A_98 = vector.shape_cast %shift_right_logical3A_94 : vector<16xi32> to vector<16xi32>
      tpu.vector_store %arg11[%swap3A_95], %swap3A_98 {strides = array<i32>} : memref<128xi32, #tpu.memory_space<vmem>>, vector<16xi32>,
      %get3A_99 = arith.constant 32 : index
      %get3A_100 = tpu.vector_load %arg9[%get3A_99] {strides = array<i32>} : memref<128xi32, #tpu.memory_space<vmem>>, vector<16xi32>,
      %get3A_101 = vector.shape_cast %get3A_100 : vector<16xi32> to vector<16xi32>
      %broadcast_in_dim3A_102 = arith.constant 7 : i32
      %broadcast_in_dim3A_103 = vector.broadcast %broadcast_in_dim3A_102 : i32 to vector<16xi32>
      %and3A_104 = arith.andi %get3A_101, %broadcast_in_dim3A_103 : vector<16xi32>
      %swap3A_105 = arith.constant 32 : index
      %swap3A_106 = tpu.vector_load %arg10[%swap3A_105] {strides = array<i32>} : memref<128xi32, #tpu.memory_space<vmem>>, vector<16xi32>,
      %swap3A_107 = vector.shape_cast %swap3A_106 : vector<16xi32> to vector<16xi32>
      %swap3A_108 = vector.shape_cast %and3A_104 : vector<16xi32> to vector<16xi32>
      tpu.vector_store %arg10[%swap3A_105], %swap3A_108 {strides = array<i32>} : memref<128xi32, #tpu.memory_space<vmem>>, vector<16xi32>,
      %broadcast_in_dim3A_109 = arith.constant 3 : i32
      %broadcast_in_dim3A_110 = vector.broadcast %broadcast_in_dim3A_109 : i32 to vector<16xi32>
      %shift_right_logical3A_111 = arith.shrui %get3A_101, %broadcast_in_dim3A_110 : vector<16xi32>
      %swap3A_112 = arith.constant 32 : index
      %swap3A_113 = tpu.vector_load %arg11[%swap3A_112] {strides = array<i32>} : memref<128xi32, #tpu.memory_space<vmem>>, vector<16xi32>,
      %swap3A_114 = vector.shape_cast %swap3A_113 : vector<16xi32> to vector<16xi32>
      %swap3A_115 = vector.shape_cast %shift_right_logical3A_111 : vector<16xi32> to vector<16xi32>
      tpu.vector_store %arg11[%swap3A_112], %swap3A_115 {strides = array<i32>} : memref<128xi32, #tpu.memory_space<vmem>>, vector<16xi32>,
      %get3A_116 = arith.constant 48 : index
      %get3A_117 = tpu.vector_load %arg9[%get3A_116] {strides = array<i32>} : memref<128xi32, #tpu.memory_space<vmem>>, vector<16xi32>,
      %get3A_118 = vector.shape_cast %get3A_117 : vector<16xi32> to vector<16xi32>
      %broadcast_in_dim3A_119 = arith.constant 7 : i32
      %broadcast_in_dim3A_120 = vector.broadcast %broadcast_in_dim3A_119 : i32 to vector<16xi32>
      %and3A_121 = arith.andi %get3A_118, %broadcast_in_dim3A_120 : vector<16xi32>
      %swap3A_122 = arith.constant 48 : index
      %swap3A_123 = tpu.vector_load %arg10[%swap3A_122] {strides = array<i32>} : memref<128xi32, #tpu.memory_space<vmem>>, vector<16xi32>,
      %swap3A_124 = vector.shape_cast %swap3A_123 : vector<16xi32> to vector<16xi32>
      %swap3A_125 = vector.shape_cast %and3A_121 : vector<16xi32> to vector<16xi32>
      tpu.vector_store %arg10[%swap3A_122], %swap3A_125 {strides = array<i32>} : memref<128xi32, #tpu.memory_space<vmem>>, vector<16xi32>,
      %broadcast_in_dim3A_126 = arith.constant 3 : i32
      %broadcast_in_dim3A_127 = vector.broadcast %broadcast_in_dim3A_126 : i32 to vector<16xi32>
      %shift_right_logical3A_128 = arith.shrui %get3A_118, %broadcast_in_dim3A_127 : vector<16xi32>
      %swap3A_129 = arith.constant 48 : index
      %swap3A_130 = tpu.vector_load %arg11[%swap3A_129] {strides = array<i32>} : memref<128xi32, #tpu.memory_space<vmem>>, vector<16xi32>,
      %swap3A_131 = vector.shape_cast %swap3A_130 : vector<16xi32> to vector<16xi32>
      %swap3A_132 = vector.shape_cast %shift_right_logical3A_128 : vector<16xi32> to vector<16xi32>
      tpu.vector_store %arg11[%swap3A_129], %swap3A_132 {strides = array<i32>} : memref<128xi32, #tpu.memory_space<vmem>>, vector<16xi32>,
      %get3A_133 = arith.constant 64 : index
      %get3A_134 = tpu.vector_load %arg9[%get3A_133] {strides = array<i32>} : memref<128xi32, #tpu.memory_space<vmem>>, vector<16xi32>,
      %get3A_135 = vector.shape_cast %get3A_134 : vector<16xi32> to vector<16xi32>
      %broadcast_in_dim3A_136 = arith.constant 7 : i32
      %broadcast_in_dim3A_137 = vector.broadcast %broadcast_in_dim3A_136 : i32 to vector<16xi32>
      %and3A_138 = arith.andi %get3A_135, %broadcast_in_dim3A_137 : vector<16xi32>
      %swap3A_139 = arith.constant 64 : index
      %swap3A_140 = tpu.vector_load %arg10[%swap3A_139] {strides = array<i32>} : memref<128xi32, #tpu.memory_space<vmem>>, vector<16xi32>,
      %swap3A_141 = vector.shape_cast %swap3A_140 : vector<16xi32> to vector<16xi32>
      %swap3A_142 = vector.shape_cast %and3A_138 : vector<16xi32> to vector<16xi32>
      tpu.vector_store %arg10[%swap3A_139], %swap3A_142 {strides = array<i32>} : memref<128xi32, #tpu.memory_space<vmem>>, vector<16xi32>,
      %broadcast_in_dim3A_143 = arith.constant 3 : i32
      %broadcast_in_dim3A_144 = vector.broadcast %broadcast_in_dim3A_143 : i32 to vector<16xi32>
      %shift_right_logical3A_145 = arith.shrui %get3A_135, %broadcast_in_dim3A_144 : vector<16xi32>
      %swap3A_146 = arith.constant 64 : index
      %swap3A_147 = tpu.vector_load %arg11[%swap3A_146] {strides = array<i32>} : memref<128xi32, #tpu.memory_space<vmem>>, vector<16xi32>,
      %swap3A_148 = vector.shape_cast %swap3A_147 : vector<16xi32> to vector<16xi32>
      %swap3A_149 = vector.shape_cast %shift_right_logical3A_145 : vector<16xi32> to vector<16xi32>
      tpu.vector_store %arg11[%swap3A_146], %swap3A_149 {strides = array<i32>} : memref<128xi32, #tpu.memory_space<vmem>>, vector<16xi32>,
      %get3A_150 = arith.constant 80 : index
      %get3A_151 = tpu.vector_load %arg9[%get3A_150] {strides = array<i32>} : memref<128xi32, #tpu.memory_space<vmem>>, vector<16xi32>,
      %get3A_152 = vector.shape_cast %get3A_151 : vector<16xi32> to vector<16xi32>
      %broadcast_in_dim3A_153 = arith.constant 7 : i32
      %broadcast_in_dim3A_154 = vector.broadcast %broadcast_in_dim3A_153 : i32 to vector<16xi32>
      %and3A_155 = arith.andi %get3A_152, %broadcast_in_dim3A_154 : vector<16xi32>
      %swap3A_156 = arith.constant 80 : index
      %swap3A_157 = tpu.vector_load %arg10[%swap3A_156] {strides = array<i32>} : memref<128xi32, #tpu.memory_space<vmem>>, vector<16xi32>,
      %swap3A_158 = vector.shape_cast %swap3A_157 : vector<16xi32> to vector<16xi32>
      %swap3A_159 = vector.shape_cast %and3A_155 : vector<16xi32> to vector<16xi32>
      tpu.vector_store %arg10[%swap3A_156], %swap3A_159 {strides = array<i32>} : memref<128xi32, #tpu.memory_space<vmem>>, vector<16xi32>,
      %broadcast_in_dim3A_160 = arith.constant 3 : i32
      %broadcast_in_dim3A_161 = vector.broadcast %broadcast_in_dim3A_160 : i32 to vector<16xi32>
      %shift_right_logical3A_162 = arith.shrui %get3A_152, %broadcast_in_dim3A_161 : vector<16xi32>
      %swap3A_163 = arith.constant 80 : index
      %swap3A_164 = tpu.vector_load %arg11[%swap3A_163] {strides = array<i32>} : memref<128xi32, #tpu.memory_space<vmem>>, vector<16xi32>,
      %swap3A_165 = vector.shape_cast %swap3A_164 : vector<16xi32> to vector<16xi32>
      %swap3A_166 = vector.shape_cast %shift_right_logical3A_162 : vector<16xi32> to vector<16xi32>
      tpu.vector_store %arg11[%swap3A_163], %swap3A_166 {strides = array<i32>} : memref<128xi32, #tpu.memory_space<vmem>>, vector<16xi32>,
      %get3A_167 = arith.constant 96 : index
      %get3A_168 = tpu.vector_load %arg9[%get3A_167] {strides = array<i32>} : memref<128xi32, #tpu.memory_space<vmem>>, vector<16xi32>,
      %get3A_169 = vector.shape_cast %get3A_168 : vector<16xi32> to vector<16xi32>
      %broadcast_in_dim3A_170 = arith.constant 7 : i32
      %broadcast_in_dim3A_171 = vector.broadcast %broadcast_in_dim3A_170 : i32 to vector<16xi32>
      %and3A_172 = arith.andi %get3A_169, %broadcast_in_dim3A_171 : vector<16xi32>
      %swap3A_173 = arith.constant 96 : index
      %swap3A_174 = tpu.vector_load %arg10[%swap3A_173] {strides = array<i32>} : memref<128xi32, #tpu.memory_space<vmem>>, vector<16xi32>,
      %swap3A_175 = vector.shape_cast %swap3A_174 : vector<16xi32> to vector<16xi32>
      %swap3A_176 = vector.shape_cast %and3A_172 : vector<16xi32> to vector<16xi32>
      tpu.vector_store %arg10[%swap3A_173], %swap3A_176 {strides = array<i32>} : memref<128xi32, #tpu.memory_space<vmem>>, vector<16xi32>,
      %broadcast_in_dim3A_177 = arith.constant 3 : i32
      %broadcast_in_dim3A_178 = vector.broadcast %broadcast_in_dim3A_177 : i32 to vector<16xi32>
      %shift_right_logical3A_179 = arith.shrui %get3A_169, %broadcast_in_dim3A_178 : vector<16xi32>
      %swap3A_180 = arith.constant 96 : index
      %swap3A_181 = tpu.vector_load %arg11[%swap3A_180] {strides = array<i32>} : memref<128xi32, #tpu.memory_space<vmem>>, vector<16xi32>,
      %swap3A_182 = vector.shape_cast %swap3A_181 : vector<16xi32> to vector<16xi32>
      %swap3A_183 = vector.shape_cast %shift_right_logical3A_179 : vector<16xi32> to vector<16xi32>
      tpu.vector_store %arg11[%swap3A_180], %swap3A_183 {strides = array<i32>} : memref<128xi32, #tpu.memory_space<vmem>>, vector<16xi32>,
      %get3A_184 = arith.constant 112 : index
      %get3A_185 = tpu.vector_load %arg9[%get3A_184] {strides = array<i32>} : memref<128xi32, #tpu.memory_space<vmem>>, vector<16xi32>,
      %get3A_186 = vector.shape_cast %get3A_185 : vector<16xi32> to vector<16xi32>
      %broadcast_in_dim3A_187 = arith.constant 7 : i32
      %broadcast_in_dim3A_188 = vector.broadcast %broadcast_in_dim3A_187 : i32 to vector<16xi32>
      %and3A_189 = arith.andi %get3A_186, %broadcast_in_dim3A_188 : vector<16xi32>
      %swap3A_190 = arith.constant 112 : index
      %swap3A_191 = tpu.vector_load %arg10[%swap3A_190] {strides = array<i32>} : memref<128xi32, #tpu.memory_space<vmem>>, vector<16xi32>,
      %swap3A_192 = vector.shape_cast %swap3A_191 : vector<16xi32> to vector<16xi32>
      %swap3A_193 = vector.shape_cast %and3A_189 : vector<16xi32> to vector<16xi32>
      tpu.vector_store %arg10[%swap3A_190], %swap3A_193 {strides = array<i32>} : memref<128xi32, #tpu.memory_space<vmem>>, vector<16xi32>,
      %broadcast_in_dim3A_194 = arith.constant 3 : i32
      %broadcast_in_dim3A_195 = vector.broadcast %broadcast_in_dim3A_194 : i32 to vector<16xi32>
      %shift_right_logical3A_196 = arith.shrui %get3A_186, %broadcast_in_dim3A_195 : vector<16xi32>
      %swap3A_197 = arith.constant 112 : index
      %swap3A_198 = tpu.vector_load %arg11[%swap3A_197] {strides = array<i32>} : memref<128xi32, #tpu.memory_space<vmem>>, vector<16xi32>,
      %swap3A_199 = vector.shape_cast %swap3A_198 : vector<16xi32> to vector<16xi32>
      %swap3A_200 = vector.shape_cast %shift_right_logical3A_196 : vector<16xi32> to vector<16xi32>
      tpu.vector_store %arg11[%swap3A_197], %swap3A_200 {strides = array<i32>} : memref<128xi32, #tpu.memory_space<vmem>>, vector<16xi32>,
      %dma_start3A = arith.constant 0 : i32
      %dma_start3A_201 = arith.constant 0 : i32
      %dma_start3A_202 = tpu.memref_slice %arg4[%dma_start3A, %dma_start3A_201] : memref<10000x128xf32, #tpu.memory_space<hbm>> -> memref<10000x128xf32, #tpu.memory_space<hbm>>
      tpu.enqueue_indirect_dma source(%dma_start3A_202 : memref<10000x128xf32, #tpu.memory_space<hbm>>) target(%arg12 : memref<128x128xf32, #tpu.memory_space<vmem>>) offsets(%arg8 : memref<128xi32, #tpu.memory_space<vmem>>) semaphore(%arg16 : memref<!tpu.dma_semaphore, #tpu.memory_space<semaphore_mem>>)
      %dma_start3A_203 = arith.constant 0 : i32
      %dma_start3A_204 = arith.constant 0 : i32
      %dma_start3A_205 = tpu.memref_slice %arg5[%dma_start3A_203, %dma_start3A_204] : memref<8x128xf32, #tpu.memory_space<hbm>> -> memref<8x128xf32, #tpu.memory_space<hbm>>
      tpu.enqueue_indirect_dma source(%dma_start3A_205 : memref<8x128xf32, #tpu.memory_space<hbm>>) target(%arg13 : memref<128x128xf32, #tpu.memory_space<vmem>>) offsets(%arg10 : memref<128xi32, #tpu.memory_space<vmem>>) semaphore(%arg17 : memref<!tpu.dma_semaphore, #tpu.memory_space<semaphore_mem>>)
      %dma_wait3A = arith.constant 0 : i32
      %dma_wait3A_206 = arith.constant 0 : i32
      %dma_wait3A_207 = tpu.memref_slice %arg4[%dma_wait3A, %dma_wait3A_206] : memref<10000x128xf32, #tpu.memory_space<hbm>> -> memref<10000x128xf32, #tpu.memory_space<hbm>>
      tpu.wait_indirect_dma semaphore(%arg16 : memref<!tpu.dma_semaphore, #tpu.memory_space<semaphore_mem>>) src(%dma_wait3A_207 : memref<10000x128xf32, #tpu.memory_space<hbm>>) dst(%arg12 : memref<128x128xf32, #tpu.memory_space<vmem>>)
      "tpu.region"() ({
        %run_scoped3A = tpu.sem_alloc : memref<!tpu.dma_semaphore, #tpu.memory_space<semaphore_mem>>
        %dma_start3A_211 = arith.constant 0 : i32
        %dma_start3A_212 = arith.constant 0 : i32
        %dma_start3A_213 = tpu.memref_slice %arg14[%dma_start3A_211, %dma_start3A_212] : memref<10240x128xf32, #tpu.memory_space<vmem_shared>> -> memref<10240x128xf32, #tpu.memory_space<vmem_shared>>
        tpu.enqueue_indirect_dma source(%arg12 : memref<128x128xf32, #tpu.memory_space<vmem>>) target(%dma_start3A_213 : memref<10240x128xf32, #tpu.memory_space<vmem_shared>>) offsets(%arg9 : memref<128xi32, #tpu.memory_space<vmem>>) semaphore(%run_scoped3A : memref<!tpu.dma_semaphore, #tpu.memory_space<semaphore_mem>>) {add = true}
        %dma_wait3A_214 = arith.constant 0 : i32
        %dma_wait3A_215 = arith.constant 0 : i32
        %dma_wait3A_216 = tpu.memref_slice %arg14[%dma_wait3A_214, %dma_wait3A_215] : memref<10240x128xf32, #tpu.memory_space<vmem_shared>> -> memref<10240x128xf32, #tpu.memory_space<vmem_shared>>
        tpu.wait_indirect_dma semaphore(%run_scoped3A : memref<!tpu.dma_semaphore, #tpu.memory_space<semaphore_mem>>) src(%arg12 : memref<128x128xf32, #tpu.memory_space<vmem>>) dst(%dma_wait3A_216 : memref<10240x128xf32, #tpu.memory_space<vmem_shared>>)
        tpu.yield
      }) : () -> ()
      %dma_wait3A_208 = arith.constant 0 : i32
      %dma_wait3A_209 = arith.constant 0 : i32
      %dma_wait3A_210 = tpu.memref_slice %arg5[%dma_wait3A_208, %dma_wait3A_209] : memref<8x128xf32, #tpu.memory_space<hbm>> -> memref<8x128xf32, #tpu.memory_space<hbm>>
      tpu.wait_indirect_dma semaphore(%arg17 : memref<!tpu.dma_semaphore, #tpu.memory_space<semaphore_mem>>) src(%dma_wait3A_210 : memref<8x128xf32, #tpu.memory_space<hbm>>) dst(%arg13 : memref<128x128xf32, #tpu.memory_space<vmem>>)
      "tpu.region"() ({
        %run_scoped3A = tpu.sem_alloc : memref<!tpu.dma_semaphore, #tpu.memory_space<semaphore_mem>>
        %dma_start3A_211 = arith.constant 0 : i32
        %dma_start3A_212 = arith.constant 0 : i32
        %dma_start3A_213 = tpu.memref_slice %arg15[%dma_start3A_211, %dma_start3A_212] : memref<1280x128xf32, #tpu.memory_space<vmem_shared>> -> memref<1280x128xf32, #tpu.memory_space<vmem_shared>>
        tpu.enqueue_indirect_dma source(%arg13 : memref<128x128xf32, #tpu.memory_space<vmem>>) target(%dma_start3A_213 : memref<1280x128xf32, #tpu.memory_space<vmem_shared>>) offsets(%arg11 : memref<128xi32, #tpu.memory_space<vmem>>) semaphore(%run_scoped3A : memref<!tpu.dma_semaphore, #tpu.memory_space<semaphore_mem>>) {add = true}
        %dma_wait3A_214 = arith.constant 0 : i32
        %dma_wait3A_215 = arith.constant 0 : i32
        %dma_wait3A_216 = tpu.memref_slice %arg15[%dma_wait3A_214, %dma_wait3A_215] : memref<1280x128xf32, #tpu.memory_space<vmem_shared>> -> memref<1280x128xf32, #tpu.memory_space<vmem_shared>>
        tpu.wait_indirect_dma semaphore(%run_scoped3A : memref<!tpu.dma_semaphore, #tpu.memory_space<semaphore_mem>>) src(%arg13 : memref<128x128xf32, #tpu.memory_space<vmem>>) dst(%dma_wait3A_216 : memref<1280x128xf32, #tpu.memory_space<vmem_shared>>)
        tpu.yield
      }) : () -> ()
    } else {
    }
    %barrier3A_37 = arith.constant 0 : index
    tpu.barrier barrier_id(%barrier3A_37)
    %add3A_38 = arith.constant 0 : i32
    %add3A_39 = arith.addi %mul3A_15, %add3A_38 : i32
    %mul3A_40 = arith.constant 10240 : i32
    %mul3A_41 = arith.muli %arg0, %mul3A_40 : i32
    %add3A_42 = arith.addi %mul3A_41, %add3A_39 : i32
    "tpu.region"() ({
      %run_scoped3A = tpu.sem_alloc : memref<!tpu.dma_semaphore, #tpu.memory_space<semaphore_mem>>
      %dma_start3A = arith.constant 0 : i32
      %dma_start3A_66 = tpu.memref_slice %arg6[%add3A_42, %dma_start3A] : memref<20480x128xf32, #tpu.memory_space<hbm>> -> memref<128x128xf32, #tpu.memory_space<hbm>>
      %dma_start3A_67 = arith.constant 0 : i32
      %dma_start3A_68 = tpu.memref_slice %arg14[%add3A_39, %dma_start3A_67] : memref<10240x128xf32, #tpu.memory_space<vmem_shared>> -> memref<128x128xf32, #tpu.memory_space<vmem_shared>>
      tpu.enqueue_dma source(%dma_start3A_68 : memref<128x128xf32, #tpu.memory_space<vmem_shared>>) target(%dma_start3A_66 : memref<128x128xf32, #tpu.memory_space<hbm>>) target_semaphore(%run_scoped3A : memref<!tpu.dma_semaphore, #tpu.memory_space<semaphore_mem>>)
      %dma_wait3A = arith.constant 0 : i32
      %dma_wait3A_69 = tpu.memref_slice %arg6[%add3A_42, %dma_wait3A] : memref<20480x128xf32, #tpu.memory_space<hbm>> -> memref<128x128xf32, #tpu.memory_space<hbm>>
      %dma_wait3A_70 = arith.constant 0 : i32
      %dma_wait3A_71 = tpu.memref_slice %arg14[%add3A_39, %dma_wait3A_70] : memref<10240x128xf32, #tpu.memory_space<vmem_shared>> -> memref<128x128xf32, #tpu.memory_space<vmem_shared>>
      tpu.wait_dma2 semaphore(%run_scoped3A : memref<!tpu.dma_semaphore, #tpu.memory_space<semaphore_mem>>) src(%dma_wait3A_71 : memref<128x128xf32, #tpu.memory_space<vmem_shared>>) dst(%dma_wait3A_69 : memref<128x128xf32, #tpu.memory_space<hbm>>)
      tpu.yield
    }) : () -> ()
    %add3A_43 = arith.constant 128 : i32
    %add3A_44 = arith.addi %mul3A_15, %add3A_43 : i32
    %mul3A_45 = arith.constant 10240 : i32
    %mul3A_46 = arith.muli %arg0, %mul3A_45 : i32
    %add3A_47 = arith.addi %mul3A_46, %add3A_44 : i32
    "tpu.region"() ({
      %run_scoped3A = tpu.sem_alloc : memref<!tpu.dma_semaphore, #tpu.memory_space<semaphore_mem>>
      %dma_start3A = arith.constant 0 : i32
      %dma_start3A_66 = tpu.memref_slice %arg6[%add3A_47, %dma_start3A] : memref<20480x128xf32, #tpu.memory_space<hbm>> -> memref<128x128xf32, #tpu.memory_space<hbm>>
      %dma_start3A_67 = arith.constant 0 : i32
      %dma_start3A_68 = tpu.memref_slice %arg14[%add3A_44, %dma_start3A_67] : memref<10240x128xf32, #tpu.memory_space<vmem_shared>> -> memref<128x128xf32, #tpu.memory_space<vmem_shared>>
      tpu.enqueue_dma source(%dma_start3A_68 : memref<128x128xf32, #tpu.memory_space<vmem_shared>>) target(%dma_start3A_66 : memref<128x128xf32, #tpu.memory_space<hbm>>) target_semaphore(%run_scoped3A : memref<!tpu.dma_semaphore, #tpu.memory_space<semaphore_mem>>)
      %dma_wait3A = arith.constant 0 : i32
      %dma_wait3A_69 = tpu.memref_slice %arg6[%add3A_47, %dma_wait3A] : memref<20480x128xf32, #tpu.memory_space<hbm>> -> memref<128x128xf32, #tpu.memory_space<hbm>>
      %dma_wait3A_70 = arith.constant 0 : i32
      %dma_wait3A_71 = tpu.memref_slice %arg14[%add3A_44, %dma_wait3A_70] : memref<10240x128xf32, #tpu.memory_space<vmem_shared>> -> memref<128x128xf32, #tpu.memory_space<vmem_shared>>
      tpu.wait_dma2 semaphore(%run_scoped3A : memref<!tpu.dma_semaphore, #tpu.memory_space<semaphore_mem>>) src(%dma_wait3A_71 : memref<128x128xf32, #tpu.memory_space<vmem_shared>>) dst(%dma_wait3A_69 : memref<128x128xf32, #tpu.memory_space<hbm>>)
      tpu.yield
    }) : () -> ()
    %add3A_48 = arith.constant 256 : i32
    %add3A_49 = arith.addi %mul3A_15, %add3A_48 : i32
    %mul3A_50 = arith.constant 10240 : i32
    %mul3A_51 = arith.muli %arg0, %mul3A_50 : i32
    %add3A_52 = arith.addi %mul3A_51, %add3A_49 : i32
    "tpu.region"() ({
      %run_scoped3A = tpu.sem_alloc : memref<!tpu.dma_semaphore, #tpu.memory_space<semaphore_mem>>
      %dma_start3A = arith.constant 0 : i32
      %dma_start3A_66 = tpu.memref_slice %arg6[%add3A_52, %dma_start3A] : memref<20480x128xf32, #tpu.memory_space<hbm>> -> memref<128x128xf32, #tpu.memory_space<hbm>>
      %dma_start3A_67 = arith.constant 0 : i32
      %dma_start3A_68 = tpu.memref_slice %arg14[%add3A_49, %dma_start3A_67] : memref<10240x128xf32, #tpu.memory_space<vmem_shared>> -> memref<128x128xf32, #tpu.memory_space<vmem_shared>>
      tpu.enqueue_dma source(%dma_start3A_68 : memref<128x128xf32, #tpu.memory_space<vmem_shared>>) target(%dma_start3A_66 : memref<128x128xf32, #tpu.memory_space<hbm>>) target_semaphore(%run_scoped3A : memref<!tpu.dma_semaphore, #tpu.memory_space<semaphore_mem>>)
      %dma_wait3A = arith.constant 0 : i32
      %dma_wait3A_69 = tpu.memref_slice %arg6[%add3A_52, %dma_wait3A] : memref<20480x128xf32, #tpu.memory_space<hbm>> -> memref<128x128xf32, #tpu.memory_space<hbm>>
      %dma_wait3A_70 = arith.constant 0 : i32
      %dma_wait3A_71 = tpu.memref_slice %arg14[%add3A_49, %dma_wait3A_70] : memref<10240x128xf32, #tpu.memory_space<vmem_shared>> -> memref<128x128xf32, #tpu.memory_space<vmem_shared>>
      tpu.wait_dma2 semaphore(%run_scoped3A : memref<!tpu.dma_semaphore, #tpu.memory_space<semaphore_mem>>) src(%dma_wait3A_71 : memref<128x128xf32, #tpu.memory_space<vmem_shared>>) dst(%dma_wait3A_69 : memref<128x128xf32, #tpu.memory_space<hbm>>)
      tpu.yield
    }) : () -> ()
    %add3A_53 = arith.constant 384 : i32
    %add3A_54 = arith.addi %mul3A_15, %add3A_53 : i32
    %mul3A_55 = arith.constant 10240 : i32
    %mul3A_56 = arith.muli %arg0, %mul3A_55 : i32
    %add3A_57 = arith.addi %mul3A_56, %add3A_54 : i32
    "tpu.region"() ({
      %run_scoped3A = tpu.sem_alloc : memref<!tpu.dma_semaphore, #tpu.memory_space<semaphore_mem>>
      %dma_start3A = arith.constant 0 : i32
      %dma_start3A_66 = tpu.memref_slice %arg6[%add3A_57, %dma_start3A] : memref<20480x128xf32, #tpu.memory_space<hbm>> -> memref<128x128xf32, #tpu.memory_space<hbm>>
      %dma_start3A_67 = arith.constant 0 : i32
      %dma_start3A_68 = tpu.memref_slice %arg14[%add3A_54, %dma_start3A_67] : memref<10240x128xf32, #tpu.memory_space<vmem_shared>> -> memref<128x128xf32, #tpu.memory_space<vmem_shared>>
      tpu.enqueue_dma source(%dma_start3A_68 : memref<128x128xf32, #tpu.memory_space<vmem_shared>>) target(%dma_start3A_66 : memref<128x128xf32, #tpu.memory_space<hbm>>) target_semaphore(%run_scoped3A : memref<!tpu.dma_semaphore, #tpu.memory_space<semaphore_mem>>)
      %dma_wait3A = arith.constant 0 : i32
      %dma_wait3A_69 = tpu.memref_slice %arg6[%add3A_57, %dma_wait3A] : memref<20480x128xf32, #tpu.memory_space<hbm>> -> memref<128x128xf32, #tpu.memory_space<hbm>>
      %dma_wait3A_70 = arith.constant 0 : i32
      %dma_wait3A_71 = tpu.memref_slice %arg14[%add3A_54, %dma_wait3A_70] : memref<10240x128xf32, #tpu.memory_space<vmem_shared>> -> memref<128x128xf32, #tpu.memory_space<vmem_shared>>
      tpu.wait_dma2 semaphore(%run_scoped3A : memref<!tpu.dma_semaphore, #tpu.memory_space<semaphore_mem>>) src(%dma_wait3A_71 : memref<128x128xf32, #tpu.memory_space<vmem_shared>>) dst(%dma_wait3A_69 : memref<128x128xf32, #tpu.memory_space<hbm>>)
      tpu.yield
    }) : () -> ()
    %add3A_58 = arith.constant 512 : i32
    %add3A_59 = arith.addi %mul3A_15, %add3A_58 : i32
    %mul3A_60 = arith.constant 10240 : i32
    %mul3A_61 = arith.muli %arg0, %mul3A_60 : i32
    %add3A_62 = arith.addi %mul3A_61, %add3A_59 : i32
    "tpu.region"() ({
      %run_scoped3A = tpu.sem_alloc : memref<!tpu.dma_semaphore, #tpu.memory_space<semaphore_mem>>
      %dma_start3A = arith.constant 0 : i32
      %dma_start3A_66 = tpu.memref_slice %arg6[%add3A_62, %dma_start3A] : memref<20480x128xf32, #tpu.memory_space<hbm>> -> memref<128x128xf32, #tpu.memory_space<hbm>>
      %dma_start3A_67 = arith.constant 0 : i32
      %dma_start3A_68 = tpu.memref_slice %arg14[%add3A_59, %dma_start3A_67] : memref<10240x128xf32, #tpu.memory_space<vmem_shared>> -> memref<128x128xf32, #tpu.memory_space<vmem_shared>>
      tpu.enqueue_dma source(%dma_start3A_68 : memref<128x128xf32, #tpu.memory_space<vmem_shared>>) target(%dma_start3A_66 : memref<128x128xf32, #tpu.memory_space<hbm>>) target_semaphore(%run_scoped3A : memref<!tpu.dma_semaphore, #tpu.memory_space<semaphore_mem>>)
      %dma_wait3A = arith.constant 0 : i32
      %dma_wait3A_69 = tpu.memref_slice %arg6[%add3A_62, %dma_wait3A] : memref<20480x128xf32, #tpu.memory_space<hbm>> -> memref<128x128xf32, #tpu.memory_space<hbm>>
      %dma_wait3A_70 = arith.constant 0 : i32
      %dma_wait3A_71 = tpu.memref_slice %arg14[%add3A_59, %dma_wait3A_70] : memref<10240x128xf32, #tpu.memory_space<vmem_shared>> -> memref<128x128xf32, #tpu.memory_space<vmem_shared>>
      tpu.wait_dma2 semaphore(%run_scoped3A : memref<!tpu.dma_semaphore, #tpu.memory_space<semaphore_mem>>) src(%dma_wait3A_71 : memref<128x128xf32, #tpu.memory_space<vmem_shared>>) dst(%dma_wait3A_69 : memref<128x128xf32, #tpu.memory_space<hbm>>)
      tpu.yield
    }) : () -> ()
    %mul3A_63 = arith.constant 1280 : i32
    %mul3A_64 = arith.muli %arg0, %mul3A_63 : i32
    %add3A_65 = arith.addi %mul3A_64, %mul3A_27 : i32
    "tpu.region"() ({
      %run_scoped3A = tpu.sem_alloc : memref<!tpu.dma_semaphore, #tpu.memory_space<semaphore_mem>>
      %dma_start3A = arith.constant 0 : i32
      %dma_start3A_66 = tpu.memref_slice %arg7[%add3A_65, %dma_start3A] : memref<2560x128xf32, #tpu.memory_space<hbm>> -> memref<80x128xf32, #tpu.memory_space<hbm>>
      %dma_start3A_67 = arith.constant 0 : i32
      %dma_start3A_68 = tpu.memref_slice %arg15[%mul3A_27, %dma_start3A_67] : memref<1280x128xf32, #tpu.memory_space<vmem_shared>> -> memref<80x128xf32, #tpu.memory_space<vmem_shared>>
      tpu.enqueue_dma source(%dma_start3A_68 : memref<80x128xf32, #tpu.memory_space<vmem_shared>>) target(%dma_start3A_66 : memref<80x128xf32, #tpu.memory_space<hbm>>) target_semaphore(%run_scoped3A : memref<!tpu.dma_semaphore, #tpu.memory_space<semaphore_mem>>)
      %dma_wait3A = arith.constant 0 : i32
      %dma_wait3A_69 = tpu.memref_slice %arg7[%add3A_65, %dma_wait3A] : memref<2560x128xf32, #tpu.memory_space<hbm>> -> memref<80x128xf32, #tpu.memory_space<hbm>>
      %dma_wait3A_70 = arith.constant 0 : i32
      %dma_wait3A_71 = tpu.memref_slice %arg15[%mul3A_27, %dma_wait3A_70] : memref<1280x128xf32, #tpu.memory_space<vmem_shared>> -> memref<80x128xf32, #tpu.memory_space<vmem_shared>>
      tpu.wait_dma2 semaphore(%run_scoped3A : memref<!tpu.dma_semaphore, #tpu.memory_space<semaphore_mem>>) src(%dma_wait3A_71 : memref<80x128xf32, #tpu.memory_space<vmem_shared>>) dst(%dma_wait3A_69 : memref<80x128xf32, #tpu.memory_space<hbm>>)
      tpu.yield
    }) : () -> ()
    return
  }
}

#map = affine_map<(d0, d1) -> (0, 0)>
#map1 = affine_map<(d0, d1) -> (0)>
module attributes {stable_mosaic.version = 14 : i64} {
  func.func @_gat_body(%arg0: i32, %arg1: i32, %arg2: memref<10000x128xf32, #tpu.memory_space<hbm>>, %arg3: memref<200x128xf32, #tpu.memory_space<hbm>>, %arg4: memref<20480xi32, #tpu.memory_space<hbm>>, %arg5: memref<20480xi32, #tpu.memory_space<hbm>>, %arg6: memref<1024xi32, #tpu.memory_space<hbm>>, %arg7: memref<20480x128xf32, #tpu.memory_space<hbm>>, %arg8: memref<20480x128xf32, #tpu.memory_space<hbm>>, %arg9: memref<1024x128xf32, #tpu.memory_space<hbm>>, %arg10: memref<128xi32, #tpu.memory_space<vmem>>, %arg11: memref<128x128xf32, #tpu.memory_space<vmem>>, %arg12: memref<32xi32, #tpu.memory_space<vmem>>, %arg13: memref<32x128xf32, #tpu.memory_space<vmem>>, %arg14: memref<!tpu.dma_semaphore, #tpu.memory_space<semaphore_mem>>) attributes {dimension_semantics = [#tpu.dimension_semantics<core_parallel>, #tpu.dimension_semantics<subcore_parallel>], iteration_bounds = array<i64: 2, 16>, scalar_prefetch = 0 : i64, scratch_operands = 5 : i64, tpu.core_type = #tpu.core_type<sc_vector_subcore>, window_params = [{transform_indices = #map}, {transform_indices = #map}, {transform_indices = #map1}, {transform_indices = #map1}, {transform_indices = #map1}, {transform_indices = #map}, {transform_indices = #map}, {transform_indices = #map}]} {
    %mul3A = arith.constant 16 : i32
    %mul3A_0 = arith.muli %arg0, %mul3A : i32
    %add3A = arith.addi %mul3A_0, %arg1 : i32
    %scan3A = arith.constant 0 : i32
    %scan3A_1 = arith.constant 0 : i32
    %scan3A_2 = arith.constant 5 : i32
    %scan3A_3 = arith.addi %scan3A_1, %scan3A_2 : i32
    %scan3A_4 = arith.constant 1 : i32
    %scan3A_5 = scf.for %scan3A_37 = %scan3A_1 to %scan3A_3 step %scan3A_4 iter_args(%scan3A_38 = %scan3A) -> (i32)  : i32 {
      %mul3A_39 = arith.constant 640 : i32
      %mul3A_40 = arith.muli %add3A, %mul3A_39 : i32
      %mul3A_41 = arith.constant 128 : i32
      %mul3A_42 = arith.muli %scan3A_37, %mul3A_41 : i32
      %add3A_43 = arith.addi %mul3A_40, %mul3A_42 : i32
      "tpu.region"() ({
        %run_scoped3A = tpu.sem_alloc : memref<!tpu.dma_semaphore, #tpu.memory_space<semaphore_mem>>
        %dma_start3A_51 = tpu.memref_slice %arg4[%add3A_43] : memref<20480xi32, #tpu.memory_space<hbm>> -> memref<128xi32, #tpu.memory_space<hbm>>
        %dma_start3A_52 = tpu.memref_slice %arg4[%add3A_43] : memref<20480xi32, #tpu.memory_space<hbm>> -> memref<128xi32, #tpu.memory_space<hbm>>
        tpu.enqueue_dma source(%dma_start3A_52 : memref<128xi32, #tpu.memory_space<hbm>>) target(%arg10 : memref<128xi32, #tpu.memory_space<vmem>>) target_semaphore(%run_scoped3A : memref<!tpu.dma_semaphore, #tpu.memory_space<semaphore_mem>>)
        %dma_wait3A_53 = tpu.memref_slice %arg4[%add3A_43] : memref<20480xi32, #tpu.memory_space<hbm>> -> memref<128xi32, #tpu.memory_space<hbm>>
        %dma_wait3A_54 = tpu.memref_slice %arg4[%add3A_43] : memref<20480xi32, #tpu.memory_space<hbm>> -> memref<128xi32, #tpu.memory_space<hbm>>
        tpu.wait_dma2 semaphore(%run_scoped3A : memref<!tpu.dma_semaphore, #tpu.memory_space<semaphore_mem>>) src(%dma_wait3A_54 : memref<128xi32, #tpu.memory_space<hbm>>) dst(%arg10 : memref<128xi32, #tpu.memory_space<vmem>>)
        tpu.yield
      }) : () -> ()
      %dma_start3A_44 = arith.constant 0 : i32
      %dma_start3A_45 = arith.constant 0 : i32
      %dma_start3A_46 = tpu.memref_slice %arg2[%dma_start3A_44, %dma_start3A_45] : memref<10000x128xf32, #tpu.memory_space<hbm>> -> memref<10000x128xf32, #tpu.memory_space<hbm>>
      tpu.enqueue_indirect_dma source(%dma_start3A_46 : memref<10000x128xf32, #tpu.memory_space<hbm>>) target(%arg11 : memref<128x128xf32, #tpu.memory_space<vmem>>) offsets(%arg10 : memref<128xi32, #tpu.memory_space<vmem>>) semaphore(%arg14 : memref<!tpu.dma_semaphore, #tpu.memory_space<semaphore_mem>>)
      %dma_wait3A_47 = arith.constant 0 : i32
      %dma_wait3A_48 = arith.constant 0 : i32
      %dma_wait3A_49 = tpu.memref_slice %arg2[%dma_wait3A_47, %dma_wait3A_48] : memref<10000x128xf32, #tpu.memory_space<hbm>> -> memref<10000x128xf32, #tpu.memory_space<hbm>>
      tpu.wait_indirect_dma semaphore(%arg14 : memref<!tpu.dma_semaphore, #tpu.memory_space<semaphore_mem>>) src(%dma_wait3A_49 : memref<10000x128xf32, #tpu.memory_space<hbm>>) dst(%arg11 : memref<128x128xf32, #tpu.memory_space<vmem>>)
      "tpu.region"() ({
        %run_scoped3A = tpu.sem_alloc : memref<!tpu.dma_semaphore, #tpu.memory_space<semaphore_mem>>
        %dma_start3A_51 = arith.constant 0 : i32
        %dma_start3A_52 = tpu.memref_slice %arg7[%add3A_43, %dma_start3A_51] : memref<20480x128xf32, #tpu.memory_space<hbm>> -> memref<128x128xf32, #tpu.memory_space<hbm>>
        %dma_start3A_53 = arith.constant 0 : i32
        %dma_start3A_54 = tpu.memref_slice %arg7[%add3A_43, %dma_start3A_53] : memref<20480x128xf32, #tpu.memory_space<hbm>> -> memref<128x128xf32, #tpu.memory_space<hbm>>
        tpu.enqueue_dma source(%arg11 : memref<128x128xf32, #tpu.memory_space<vmem>>) target(%dma_start3A_54 : memref<128x128xf32, #tpu.memory_space<hbm>>) target_semaphore(%run_scoped3A : memref<!tpu.dma_semaphore, #tpu.memory_space<semaphore_mem>>)
        %dma_wait3A_55 = arith.constant 0 : i32
        %dma_wait3A_56 = tpu.memref_slice %arg7[%add3A_43, %dma_wait3A_55] : memref<20480x128xf32, #tpu.memory_space<hbm>> -> memref<128x128xf32, #tpu.memory_space<hbm>>
        %dma_wait3A_57 = arith.constant 0 : i32
        %dma_wait3A_58 = tpu.memref_slice %arg7[%add3A_43, %dma_wait3A_57] : memref<20480x128xf32, #tpu.memory_space<hbm>> -> memref<128x128xf32, #tpu.memory_space<hbm>>
        tpu.wait_dma2 semaphore(%run_scoped3A : memref<!tpu.dma_semaphore, #tpu.memory_space<semaphore_mem>>) src(%arg11 : memref<128x128xf32, #tpu.memory_space<vmem>>) dst(%dma_wait3A_58 : memref<128x128xf32, #tpu.memory_space<hbm>>)
        tpu.yield
      }) : () -> ()
      %scan3A_50 = arith.constant 0 : i32
      scf.yield %scan3A_50 : i32
    }
    %scan3A_6 = arith.constant 5 : i32
    %scan3A_7 = arith.constant 0 : i32
    %scan3A_8 = arith.constant 0 : i32
    %scan3A_9 = arith.constant 5 : i32
    %scan3A_10 = arith.addi %scan3A_8, %scan3A_9 : i32
    %scan3A_11 = arith.constant 1 : i32
    %scan3A_12 = scf.for %scan3A_37 = %scan3A_8 to %scan3A_10 step %scan3A_11 iter_args(%scan3A_38 = %scan3A_7) -> (i32)  : i32 {
      %mul3A_39 = arith.constant 640 : i32
      %mul3A_40 = arith.muli %add3A, %mul3A_39 : i32
      %mul3A_41 = arith.constant 128 : i32
      %mul3A_42 = arith.muli %scan3A_37, %mul3A_41 : i32
      %add3A_43 = arith.addi %mul3A_40, %mul3A_42 : i32
      "tpu.region"() ({
        %run_scoped3A = tpu.sem_alloc : memref<!tpu.dma_semaphore, #tpu.memory_space<semaphore_mem>>
        %dma_start3A_51 = tpu.memref_slice %arg5[%add3A_43] : memref<20480xi32, #tpu.memory_space<hbm>> -> memref<128xi32, #tpu.memory_space<hbm>>
        %dma_start3A_52 = tpu.memref_slice %arg5[%add3A_43] : memref<20480xi32, #tpu.memory_space<hbm>> -> memref<128xi32, #tpu.memory_space<hbm>>
        tpu.enqueue_dma source(%dma_start3A_52 : memref<128xi32, #tpu.memory_space<hbm>>) target(%arg10 : memref<128xi32, #tpu.memory_space<vmem>>) target_semaphore(%run_scoped3A : memref<!tpu.dma_semaphore, #tpu.memory_space<semaphore_mem>>)
        %dma_wait3A_53 = tpu.memref_slice %arg5[%add3A_43] : memref<20480xi32, #tpu.memory_space<hbm>> -> memref<128xi32, #tpu.memory_space<hbm>>
        %dma_wait3A_54 = tpu.memref_slice %arg5[%add3A_43] : memref<20480xi32, #tpu.memory_space<hbm>> -> memref<128xi32, #tpu.memory_space<hbm>>
        tpu.wait_dma2 semaphore(%run_scoped3A : memref<!tpu.dma_semaphore, #tpu.memory_space<semaphore_mem>>) src(%dma_wait3A_54 : memref<128xi32, #tpu.memory_space<hbm>>) dst(%arg10 : memref<128xi32, #tpu.memory_space<vmem>>)
        tpu.yield
      }) : () -> ()
      %dma_start3A_44 = arith.constant 0 : i32
      %dma_start3A_45 = arith.constant 0 : i32
      %dma_start3A_46 = tpu.memref_slice %arg3[%dma_start3A_44, %dma_start3A_45] : memref<200x128xf32, #tpu.memory_space<hbm>> -> memref<200x128xf32, #tpu.memory_space<hbm>>
      tpu.enqueue_indirect_dma source(%dma_start3A_46 : memref<200x128xf32, #tpu.memory_space<hbm>>) target(%arg11 : memref<128x128xf32, #tpu.memory_space<vmem>>) offsets(%arg10 : memref<128xi32, #tpu.memory_space<vmem>>) semaphore(%arg14 : memref<!tpu.dma_semaphore, #tpu.memory_space<semaphore_mem>>)
      %dma_wait3A_47 = arith.constant 0 : i32
      %dma_wait3A_48 = arith.constant 0 : i32
      %dma_wait3A_49 = tpu.memref_slice %arg3[%dma_wait3A_47, %dma_wait3A_48] : memref<200x128xf32, #tpu.memory_space<hbm>> -> memref<200x128xf32, #tpu.memory_space<hbm>>
      tpu.wait_indirect_dma semaphore(%arg14 : memref<!tpu.dma_semaphore, #tpu.memory_space<semaphore_mem>>) src(%dma_wait3A_49 : memref<200x128xf32, #tpu.memory_space<hbm>>) dst(%arg11 : memref<128x128xf32, #tpu.memory_space<vmem>>)
      "tpu.region"() ({
        %run_scoped3A = tpu.sem_alloc : memref<!tpu.dma_semaphore, #tpu.memory_space<semaphore_mem>>
        %dma_start3A_51 = arith.constant 0 : i32
        %dma_start3A_52 = tpu.memref_slice %arg8[%add3A_43, %dma_start3A_51] : memref<20480x128xf32, #tpu.memory_space<hbm>> -> memref<128x128xf32, #tpu.memory_space<hbm>>
        %dma_start3A_53 = arith.constant 0 : i32
        %dma_start3A_54 = tpu.memref_slice %arg8[%add3A_43, %dma_start3A_53] : memref<20480x128xf32, #tpu.memory_space<hbm>> -> memref<128x128xf32, #tpu.memory_space<hbm>>
        tpu.enqueue_dma source(%arg11 : memref<128x128xf32, #tpu.memory_space<vmem>>) target(%dma_start3A_54 : memref<128x128xf32, #tpu.memory_space<hbm>>) target_semaphore(%run_scoped3A : memref<!tpu.dma_semaphore, #tpu.memory_space<semaphore_mem>>)
        %dma_wait3A_55 = arith.constant 0 : i32
        %dma_wait3A_56 = tpu.memref_slice %arg8[%add3A_43, %dma_wait3A_55] : memref<20480x128xf32, #tpu.memory_space<hbm>> -> memref<128x128xf32, #tpu.memory_space<hbm>>
        %dma_wait3A_57 = arith.constant 0 : i32
        %dma_wait3A_58 = tpu.memref_slice %arg8[%add3A_43, %dma_wait3A_57] : memref<20480x128xf32, #tpu.memory_space<hbm>> -> memref<128x128xf32, #tpu.memory_space<hbm>>
        tpu.wait_dma2 semaphore(%run_scoped3A : memref<!tpu.dma_semaphore, #tpu.memory_space<semaphore_mem>>) src(%arg11 : memref<128x128xf32, #tpu.memory_space<vmem>>) dst(%dma_wait3A_58 : memref<128x128xf32, #tpu.memory_space<hbm>>)
        tpu.yield
      }) : () -> ()
      %scan3A_50 = arith.constant 0 : i32
      scf.yield %scan3A_50 : i32
    }
    %scan3A_13 = arith.constant 5 : i32
    %mul3A_14 = arith.constant 32 : i32
    %mul3A_15 = arith.muli %add3A, %mul3A_14 : i32
    "tpu.region"() ({
      %run_scoped3A = tpu.sem_alloc : memref<!tpu.dma_semaphore, #tpu.memory_space<semaphore_mem>>
      %dma_start3A_37 = tpu.memref_slice %arg6[%mul3A_15] : memref<1024xi32, #tpu.memory_space<hbm>> -> memref<32xi32, #tpu.memory_space<hbm>>
      %dma_start3A_38 = tpu.memref_slice %arg6[%mul3A_15] : memref<1024xi32, #tpu.memory_space<hbm>> -> memref<32xi32, #tpu.memory_space<hbm>>
      tpu.enqueue_dma source(%dma_start3A_38 : memref<32xi32, #tpu.memory_space<hbm>>) target(%arg12 : memref<32xi32, #tpu.memory_space<vmem>>) target_semaphore(%run_scoped3A : memref<!tpu.dma_semaphore, #tpu.memory_space<semaphore_mem>>)
      %dma_wait3A_39 = tpu.memref_slice %arg6[%mul3A_15] : memref<1024xi32, #tpu.memory_space<hbm>> -> memref<32xi32, #tpu.memory_space<hbm>>
      %dma_wait3A_40 = tpu.memref_slice %arg6[%mul3A_15] : memref<1024xi32, #tpu.memory_space<hbm>> -> memref<32xi32, #tpu.memory_space<hbm>>
      tpu.wait_dma2 semaphore(%run_scoped3A : memref<!tpu.dma_semaphore, #tpu.memory_space<semaphore_mem>>) src(%dma_wait3A_40 : memref<32xi32, #tpu.memory_space<hbm>>) dst(%arg12 : memref<32xi32, #tpu.memory_space<vmem>>)
      tpu.yield
    }) : () -> ()
    %get3A = arith.constant 0 : index
    %get3A_16 = tpu.vector_load %arg12[%get3A] {strides = array<i32>} : memref<32xi32, #tpu.memory_space<vmem>>, vector<16xi32>,
    %get3A_17 = vector.shape_cast %get3A_16 : vector<16xi32> to vector<16xi32>
    %broadcast_in_dim3A = arith.constant 8000 : i32
    %broadcast_in_dim3A_18 = vector.broadcast %broadcast_in_dim3A : i32 to vector<16xi32>
    %add3A_19 = arith.addi %get3A_17, %broadcast_in_dim3A_18 : vector<16xi32>
    %swap3A = arith.constant 0 : index
    %swap3A_20 = tpu.vector_load %arg12[%swap3A] {strides = array<i32>} : memref<32xi32, #tpu.memory_space<vmem>>, vector<16xi32>,
    %swap3A_21 = vector.shape_cast %swap3A_20 : vector<16xi32> to vector<16xi32>
    %swap3A_22 = vector.shape_cast %add3A_19 : vector<16xi32> to vector<16xi32>
    tpu.vector_store %arg12[%swap3A], %swap3A_22 {strides = array<i32>} : memref<32xi32, #tpu.memory_space<vmem>>, vector<16xi32>,
    %get3A_23 = arith.constant 16 : index
    %get3A_24 = tpu.vector_load %arg12[%get3A_23] {strides = array<i32>} : memref<32xi32, #tpu.memory_space<vmem>>, vector<16xi32>,
    %get3A_25 = vector.shape_cast %get3A_24 : vector<16xi32> to vector<16xi32>
    %broadcast_in_dim3A_26 = arith.constant 8000 : i32
    %broadcast_in_dim3A_27 = vector.broadcast %broadcast_in_dim3A_26 : i32 to vector<16xi32>
    %add3A_28 = arith.addi %get3A_25, %broadcast_in_dim3A_27 : vector<16xi32>
    %swap3A_29 = arith.constant 16 : index
    %swap3A_30 = tpu.vector_load %arg12[%swap3A_29] {strides = array<i32>} : memref<32xi32, #tpu.memory_space<vmem>>, vector<16xi32>,
    %swap3A_31 = vector.shape_cast %swap3A_30 : vector<16xi32> to vector<16xi32>
    %swap3A_32 = vector.shape_cast %add3A_28 : vector<16xi32> to vector<16xi32>
    tpu.vector_store %arg12[%swap3A_29], %swap3A_32 {strides = array<i32>} : memref<32xi32, #tpu.memory_space<vmem>>, vector<16xi32>,
    %dma_start3A = arith.constant 0 : i32
    %dma_start3A_33 = arith.constant 0 : i32
    %dma_start3A_34 = tpu.memref_slice %arg2[%dma_start3A, %dma_start3A_33] : memref<10000x128xf32, #tpu.memory_space<hbm>> -> memref<10000x128xf32, #tpu.memory_space<hbm>>
    tpu.enqueue_indirect_dma source(%dma_start3A_34 : memref<10000x128xf32, #tpu.memory_space<hbm>>) target(%arg13 : memref<32x128xf32, #tpu.memory_space<vmem>>) offsets(%arg12 : memref<32xi32, #tpu.memory_space<vmem>>) semaphore(%arg14 : memref<!tpu.dma_semaphore, #tpu.memory_space<semaphore_mem>>)
    %dma_wait3A = arith.constant 0 : i32
    %dma_wait3A_35 = arith.constant 0 : i32
    %dma_wait3A_36 = tpu.memref_slice %arg2[%dma_wait3A, %dma_wait3A_35] : memref<10000x128xf32, #tpu.memory_space<hbm>> -> memref<10000x128xf32, #tpu.memory_space<hbm>>
    tpu.wait_indirect_dma semaphore(%arg14 : memref<!tpu.dma_semaphore, #tpu.memory_space<semaphore_mem>>) src(%dma_wait3A_36 : memref<10000x128xf32, #tpu.memory_space<hbm>>) dst(%arg13 : memref<32x128xf32, #tpu.memory_space<vmem>>)
    "tpu.region"() ({
      %run_scoped3A = tpu.sem_alloc : memref<!tpu.dma_semaphore, #tpu.memory_space<semaphore_mem>>
      %dma_start3A_37 = arith.constant 0 : i32
      %dma_start3A_38 = tpu.memref_slice %arg9[%mul3A_15, %dma_start3A_37] : memref<1024x128xf32, #tpu.memory_space<hbm>> -> memref<32x128xf32, #tpu.memory_space<hbm>>
      %dma_start3A_39 = arith.constant 0 : i32
      %dma_start3A_40 = tpu.memref_slice %arg9[%mul3A_15, %dma_start3A_39] : memref<1024x128xf32, #tpu.memory_space<hbm>> -> memref<32x128xf32, #tpu.memory_space<hbm>>
      tpu.enqueue_dma source(%arg13 : memref<32x128xf32, #tpu.memory_space<vmem>>) target(%dma_start3A_40 : memref<32x128xf32, #tpu.memory_space<hbm>>) target_semaphore(%run_scoped3A : memref<!tpu.dma_semaphore, #tpu.memory_space<semaphore_mem>>)
      %dma_wait3A_41 = arith.constant 0 : i32
      %dma_wait3A_42 = tpu.memref_slice %arg9[%mul3A_15, %dma_wait3A_41] : memref<1024x128xf32, #tpu.memory_space<hbm>> -> memref<32x128xf32, #tpu.memory_space<hbm>>
      %dma_wait3A_43 = arith.constant 0 : i32
      %dma_wait3A_44 = tpu.memref_slice %arg9[%mul3A_15, %dma_wait3A_43] : memref<1024x128xf32, #tpu.memory_space<hbm>> -> memref<32x128xf32, #tpu.memory_space<hbm>>
      tpu.wait_dma2 semaphore(%run_scoped3A : memref<!tpu.dma_semaphore, #tpu.memory_space<semaphore_mem>>) src(%arg13 : memref<32x128xf32, #tpu.memory_space<vmem>>) dst(%dma_wait3A_44 : memref<32x128xf32, #tpu.memory_space<hbm>>)
      tpu.yield
    }) : () -> ()
    return
  }
}

module attributes {stable_mosaic.version = 14 : i64} {
  func.func @_att_body(%arg0: i32, %arg1: memref<20x128x128xf32, #tpu.memory_space<vmem>>, %arg2: memref<20x128x128xf32, #tpu.memory_space<vmem>>, %arg3: memref<128x128xf32, #tpu.memory_space<vmem>>, %arg4: memref<256x128xf32, #tpu.memory_space<vmem>>, %arg5: memref<128x128xf32, #tpu.memory_space<vmem>>, %arg6: memref<1x128xf32, #tpu.memory_space<vmem>>, %arg7: memref<128x128xf32, #tpu.memory_space<vmem>>, %arg8: memref<1x128xf32, #tpu.memory_space<vmem>>, %arg9: memref<128x128xf32, #tpu.memory_space<vmem>>, %arg10: memref<1x128xf32, #tpu.memory_space<vmem>>, %arg11: memref<128x128xf32, #tpu.memory_space<vmem>>, %arg12: memref<1x128xf32, #tpu.memory_space<vmem>>, %arg13: memref<128x128xf32, #tpu.memory_space<vmem>>, %arg14: memref<1x256xf32, #tpu.memory_space<vmem>>, %arg15: memref<1x1xf32, #tpu.memory_space<vmem>>, %arg16: memref<128x128xf32, #tpu.memory_space<vmem>>) attributes {dimension_semantics = [#tpu.dimension_semantics<arbitrary>], iteration_bounds = array<i64: 8>, scalar_prefetch = 0 : i64, scratch_operands = 0 : i64, tpu.core_type = #tpu.core_type<tc>, window_params = [{transform_indices = @transform_0, window_bounds = array<i64: 20, 128, 128>}, {transform_indices = @transform_1, window_bounds = array<i64: 20, 128, 128>}, {transform_indices = @transform_2, window_bounds = array<i64: 128, 128>}, {pipeline_mode = #tpu.pipeline_mode<synchronous>, transform_indices = @transform_3, window_bounds = array<i64: 256, 128>}, {pipeline_mode = #tpu.pipeline_mode<synchronous>, transform_indices = @transform_4, window_bounds = array<i64: 128, 128>}, {pipeline_mode = #tpu.pipeline_mode<synchronous>, transform_indices = @transform_5, window_bounds = array<i64: 1, 128>}, {pipeline_mode = #tpu.pipeline_mode<synchronous>, transform_indices = @transform_6, window_bounds = array<i64: 128, 128>}, {pipeline_mode = #tpu.pipeline_mode<synchronous>, transform_indices = @transform_7, window_bounds = array<i64: 1, 128>}, {pipeline_mode = #tpu.pipeline_mode<synchronous>, transform_indices = @transform_8, window_bounds = array<i64: 128, 128>}, {pipeline_mode = #tpu.pipeline_mode<synchronous>, transform_indices = @transform_9, window_bounds = array<i64: 1, 128>}, {pipeline_mode = #tpu.pipeline_mode<synchronous>, transform_indices = @transform_10, window_bounds = array<i64: 128, 128>}, {pipeline_mode = #tpu.pipeline_mode<synchronous>, transform_indices = @transform_11, window_bounds = array<i64: 1, 128>}, {pipeline_mode = #tpu.pipeline_mode<synchronous>, transform_indices = @transform_12, window_bounds = array<i64: 128, 128>}, {pipeline_mode = #tpu.pipeline_mode<synchronous>, transform_indices = @transform_13, window_bounds = array<i64: 1, 256>}, {pipeline_mode = #tpu.pipeline_mode<synchronous>, transform_indices = @transform_14, window_bounds = array<i64: 1, 1>}, {transform_indices = @transform_15, window_bounds = array<i64: 128, 128>}]} {
    %get3A = arith.constant 0 : index
    %get3A_0 = arith.constant 0 : index
    %get3A_1 = arith.constant 0 : index
    %get3A_2 = vector.load %arg1[%get3A, %get3A_0, %get3A_1] : memref<20x128x128xf32, #tpu.memory_space<vmem>>, vector<20x128x128xf32>
    %reshape3A = vector.shape_cast %get3A_2 : vector<20x128x128xf32> to vector<2560x128xf32>
    %get3A_3 = arith.constant 0 : index
    %get3A_4 = arith.constant 0 : index
    %get3A_5 = arith.constant 0 : index
    %get3A_6 = vector.load %arg2[%get3A_3, %get3A_4, %get3A_5] : memref<20x128x128xf32, #tpu.memory_space<vmem>>, vector<20x128x128xf32>
    %reshape3A_7 = vector.shape_cast %get3A_6 : vector<20x128x128xf32> to vector<2560x128xf32>
    %get3A_8 = arith.constant 0 : index
    %get3A_9 = arith.constant 0 : index
    %get3A_10 = vector.load %arg3[%get3A_8, %get3A_9] : memref<128x128xf32, #tpu.memory_space<vmem>>, vector<128x128xf32>
    %reduce_sum3A = arith.constant dense<0.000000e+00> : vector<128x128xf32>
    %reduce_sum3A_11 = vector.multi_reduction <add>, %get3A_2, %reduce_sum3A [0] : vector<20x128x128xf32> to vector<128x128xf32>
    %mul3A = arith.constant 5.000000e-02 : f32
    %mul3A_12 = vector.broadcast %mul3A : f32 to vector<128x128xf32>
    %mul3A_13 = arith.mulf %reduce_sum3A_11, %mul3A_12 : vector<128x128xf32>
    %get3A_14 = arith.constant 0 : index
    %get3A_15 = arith.constant 0 : index
    %get3A_16 = vector.load %arg4[%get3A_14, %get3A_15] : memref<256x128xf32, #tpu.memory_space<vmem>>, vector<256x128xf32>
    %slice3A = vector.extract_strided_slice %get3A_16 {offsets = [0, 0], sizes = [128, 128], strides = [1, 1]} : vector<256x128xf32> to vector<128x128xf32>
    %dot_general3A = arith.constant dense<0.000000e+00> : vector<2560x128xf32>
    %dot_general3A_17 = tpu.matmul %reshape3A_7, %slice3A, %dot_general3A {dimension_numbers = #tpu.dot_dimension_numbers<[1], [0], [0], [1], [0, 0, 1, 1], [], []>, transpose_lhs_hint = false} : vector<2560x128xf32>, vector<128x128xf32>, vector<2560x128xf32> -> vector<2560x128xf32>
    %slice3A_18 = vector.extract_strided_slice %get3A_16 {offsets = [128, 0], sizes = [128, 128], strides = [1, 1]} : vector<256x128xf32> to vector<128x128xf32>
    %dot_general3A_19 = arith.constant dense<0.000000e+00> : vector<2560x128xf32>
    %dot_general3A_20 = tpu.matmul %reshape3A, %slice3A_18, %dot_general3A_19 {dimension_numbers = #tpu.dot_dimension_numbers<[1], [0], [0], [1], [0, 0, 1, 1], [], []>, transpose_lhs_hint = false} : vector<2560x128xf32>, vector<128x128xf32>, vector<2560x128xf32> -> vector<2560x128xf32>
    %add3A = arith.addf %dot_general3A_17, %dot_general3A_20 : vector<2560x128xf32>
    %tanh3A = math.tanh %add3A : vector<2560x128xf32>
    %get3A_21 = arith.constant 0 : index
    %get3A_22 = arith.constant 0 : index
    %get3A_23 = vector.load %arg7[%get3A_21, %get3A_22] : memref<128x128xf32, #tpu.memory_space<vmem>>, vector<128x128xf32>
    %dot_general3A_24 = arith.constant dense<0.000000e+00> : vector<128x128xf32>
    %dot_general3A_25 = tpu.matmul %mul3A_13, %get3A_23, %dot_general3A_24 {dimension_numbers = #tpu.dot_dimension_numbers<[1], [1], [0], [0], [0, 0, 1, 0], [], []>, transpose_lhs_hint = false} : vector<128x128xf32>, vector<128x128xf32>, vector<128x128xf32> -> vector<128x128xf32>
    %get3A_26 = arith.constant 0 : index
    %get3A_27 = arith.constant 0 : index
    %get3A_28 = vector.load %arg5[%get3A_26, %get3A_27] : memref<128x128xf32, #tpu.memory_space<vmem>>, vector<128x128xf32>
    %dot_general3A_29 = arith.constant dense<0.000000e+00> : vector<2560x128xf32>
    %dot_general3A_30 = tpu.matmul %tanh3A, %get3A_28, %dot_general3A_29 {dimension_numbers = #tpu.dot_dimension_numbers<[1], [1], [0], [0], [0, 0, 1, 0], [], []>, transpose_lhs_hint = false} : vector<2560x128xf32>, vector<128x128xf32>, vector<2560x128xf32> -> vector<2560x128xf32>
    %get3A_31 = arith.constant 0 : index
    %get3A_32 = arith.constant 0 : index
    %get3A_33 = vector.load %arg6[%get3A_31, %get3A_32] : memref<1x128xf32, #tpu.memory_space<vmem>>, vector<1x128xf32>
    %add3A_34 = vector.broadcast %get3A_33 : vector<1x128xf32> to vector<2560x128xf32>
    %add3A_35 = arith.addf %dot_general3A_30, %add3A_34 : vector<2560x128xf32>
    %broadcast_in_dim3A = vector.shape_cast %dot_general3A_25 : vector<128x128xf32> to vector<1x128x128xf32>
    %broadcast_in_dim3A_36 = vector.shape_cast %broadcast_in_dim3A : vector<1x128x128xf32> to vector<1x128x128xf32>
    %broadcast_in_dim3A_37 = vector.broadcast %broadcast_in_dim3A_36 : vector<1x128x128xf32> to vector<20x128x128xf32>
    %reshape3A_38 = vector.shape_cast %broadcast_in_dim3A_37 : vector<20x128x128xf32> to vector<2560x128xf32>
    %add3A_39 = arith.addf %add3A_35, %reshape3A_38 : vector<2560x128xf32>
    %logistic3A = arith.negf %add3A_39 : vector<2560x128xf32>
    %logistic3A_40 = math.exp %logistic3A : vector<2560x128xf32>
    %logistic3A_41 = arith.constant 1.000000e+00 : f32
    %logistic3A_42 = vector.broadcast %logistic3A_41 : f32 to vector<2560x128xf32>
    %logistic3A_43 = arith.addf %logistic3A_42, %logistic3A_40 : vector<2560x128xf32>
    %logistic3A_44 = arith.divf %logistic3A_42, %logistic3A_43 : vector<2560x128xf32>
    %reshape3A_45 = vector.shape_cast %logistic3A_44 : vector<2560x128xf32> to vector<20x128x128xf32>
    %get3A_46 = arith.constant 0 : index
    %get3A_47 = arith.constant 0 : index
    %get3A_48 = vector.load %arg8[%get3A_46, %get3A_47] : memref<1x128xf32, #tpu.memory_space<vmem>>, vector<1x128xf32>
    %squeeze3A = vector.shape_cast %get3A_48 : vector<1x128xf32> to vector<128xf32>
    %broadcast_in_dim3A_49 = vector.shape_cast %squeeze3A : vector<128xf32> to vector<1x1x128xf32>
    %mul3A_50 = vector.broadcast %broadcast_in_dim3A_49 : vector<1x1x128xf32> to vector<20x128x128xf32>
    %mul3A_51 = arith.mulf %reshape3A_45, %mul3A_50 : vector<20x128x128xf32>
    %reduce_sum3A_52 = arith.constant dense<0.000000e+00> : vector<20x128xf32>
    %reduce_sum3A_53 = vector.multi_reduction <add>, %mul3A_51, %reduce_sum3A_52 [2] : vector<20x128x128xf32> to vector<20x128xf32>
    %broadcast_in_dim3A_54 = vector.shape_cast %reduce_sum3A_53 : vector<20x128xf32> to vector<20x128x1xf32>
    %mul3A_55 = vector.broadcast %broadcast_in_dim3A_54 : vector<20x128x1xf32> to vector<20x128x128xf32>
    %mul3A_56 = arith.mulf %mul3A_55, %get3A_2 : vector<20x128x128xf32>
    %reduce_sum3A_57 = arith.constant dense<0.000000e+00> : vector<128x128xf32>
    %reduce_sum3A_58 = vector.multi_reduction <add>, %mul3A_56, %reduce_sum3A_57 [0] : vector<20x128x128xf32> to vector<128x128xf32>
    %get3A_59 = arith.constant 0 : index
    %get3A_60 = arith.constant 0 : index
    %get3A_61 = vector.load %arg9[%get3A_59, %get3A_60] : memref<128x128xf32, #tpu.memory_space<vmem>>, vector<128x128xf32>
    %dot_general3A_62 = arith.constant dense<0.000000e+00> : vector<2560x128xf32>
    %dot_general3A_63 = tpu.matmul %reshape3A, %get3A_61, %dot_general3A_62 {dimension_numbers = #tpu.dot_dimension_numbers<[1], [0], [0], [1], [0, 0, 1, 1], [], []>, transpose_lhs_hint = false} : vector<2560x128xf32>, vector<128x128xf32>, vector<2560x128xf32> -> vector<2560x128xf32>
    %tanh3A_64 = math.tanh %dot_general3A_63 : vector<2560x128xf32>
    %get3A_65 = arith.constant 0 : index
    %get3A_66 = arith.constant 0 : index
    %get3A_67 = vector.load %arg13[%get3A_65, %get3A_66] : memref<128x128xf32, #tpu.memory_space<vmem>>, vector<128x128xf32>
    %dot_general3A_68 = arith.constant dense<0.000000e+00> : vector<128x128xf32>
    %dot_general3A_69 = tpu.matmul %get3A_10, %get3A_67, %dot_general3A_68 {dimension_numbers = #tpu.dot_dimension_numbers<[1], [1], [0], [0], [0, 0, 1, 0], [], []>, transpose_lhs_hint = false} : vector<128x128xf32>, vector<128x128xf32>, vector<128x128xf32> -> vector<128x128xf32>
    %get3A_70 = arith.constant 0 : index
    %get3A_71 = arith.constant 0 : index
    %get3A_72 = vector.load %arg11[%get3A_70, %get3A_71] : memref<128x128xf32, #tpu.memory_space<vmem>>, vector<128x128xf32>
    %dot_general3A_73 = arith.constant dense<0.000000e+00> : vector<2560x128xf32>
    %dot_general3A_74 = tpu.matmul %tanh3A_64, %get3A_72, %dot_general3A_73 {dimension_numbers = #tpu.dot_dimension_numbers<[1], [1], [0], [0], [0, 0, 1, 0], [], []>, transpose_lhs_hint = false} : vector<2560x128xf32>, vector<128x128xf32>, vector<2560x128xf32> -> vector<2560x128xf32>
    %get3A_75 = arith.constant 0 : index
    %get3A_76 = arith.constant 0 : index
    %get3A_77 = vector.load %arg12[%get3A_75, %get3A_76] : memref<1x128xf32, #tpu.memory_space<vmem>>, vector<1x128xf32>
    %add3A_78 = vector.broadcast %get3A_77 : vector<1x128xf32> to vector<2560x128xf32>
    %add3A_79 = arith.addf %dot_general3A_74, %add3A_78 : vector<2560x128xf32>
    %broadcast_in_dim3A_80 = vector.shape_cast %dot_general3A_69 : vector<128x128xf32> to vector<1x128x128xf32>
    %broadcast_in_dim3A_81 = vector.shape_cast %broadcast_in_dim3A_80 : vector<1x128x128xf32> to vector<1x128x128xf32>
    %broadcast_in_dim3A_82 = vector.broadcast %broadcast_in_dim3A_81 : vector<1x128x128xf32> to vector<20x128x128xf32>
    %reshape3A_83 = vector.shape_cast %broadcast_in_dim3A_82 : vector<20x128x128xf32> to vector<2560x128xf32>
    %add3A_84 = arith.addf %add3A_79, %reshape3A_83 : vector<2560x128xf32>
    %logistic3A_85 = arith.negf %add3A_84 : vector<2560x128xf32>
    %logistic3A_86 = math.exp %logistic3A_85 : vector<2560x128xf32>
    %logistic3A_87 = arith.constant 1.000000e+00 : f32
    %logistic3A_88 = vector.broadcast %logistic3A_87 : f32 to vector<2560x128xf32>
    %logistic3A_89 = arith.addf %logistic3A_88, %logistic3A_86 : vector<2560x128xf32>
    %logistic3A_90 = arith.divf %logistic3A_88, %logistic3A_89 : vector<2560x128xf32>
    %reshape3A_91 = vector.shape_cast %logistic3A_90 : vector<2560x128xf32> to vector<20x128x128xf32>
    %get3A_92 = arith.constant 0 : index
    %get3A_93 = arith.constant 0 : index
    %get3A_94 = vector.load %arg10[%get3A_92, %get3A_93] : memref<1x128xf32, #tpu.memory_space<vmem>>, vector<1x128xf32>
    %squeeze3A_95 = vector.shape_cast %get3A_94 : vector<1x128xf32> to vector<128xf32>
    %broadcast_in_dim3A_96 = vector.shape_cast %squeeze3A_95 : vector<128xf32> to vector<1x1x128xf32>
    %mul3A_97 = vector.broadcast %broadcast_in_dim3A_96 : vector<1x1x128xf32> to vector<20x128x128xf32>
    %mul3A_98 = arith.mulf %reshape3A_91, %mul3A_97 : vector<20x128x128xf32>
    %reduce_sum3A_99 = arith.constant dense<0.000000e+00> : vector<20x128xf32>
    %reduce_sum3A_100 = vector.multi_reduction <add>, %mul3A_98, %reduce_sum3A_99 [2] : vector<20x128x128xf32> to vector<20x128xf32>
    %broadcast_in_dim3A_101 = vector.shape_cast %reduce_sum3A_100 : vector<20x128xf32> to vector<20x128x1xf32>
    %mul3A_102 = vector.broadcast %broadcast_in_dim3A_101 : vector<20x128x1xf32> to vector<20x128x128xf32>
    %mul3A_103 = arith.mulf %mul3A_102, %get3A_2 : vector<20x128x128xf32>
    %reduce_sum3A_104 = arith.constant dense<0.000000e+00> : vector<128x128xf32>
    %reduce_sum3A_105 = vector.multi_reduction <add>, %mul3A_103, %reduce_sum3A_104 [0] : vector<20x128x128xf32> to vector<128x128xf32>
    %get3A_106 = arith.constant 0 : index
    %get3A_107 = arith.constant 0 : index
    %get3A_108 = vector.load %arg14[%get3A_106, %get3A_107] : memref<1x256xf32, #tpu.memory_space<vmem>>, vector<1x256xf32>
    %squeeze3A_109 = vector.shape_cast %get3A_108 : vector<1x256xf32> to vector<256xf32>
    %slice3A_110 = vector.extract_strided_slice %squeeze3A_109 {offsets = [0], sizes = [128], strides = [1]} : vector<256xf32> to vector<128xf32>
    %broadcast_in_dim3A_111 = vector.shape_cast %slice3A_110 : vector<128xf32> to vector<1x128xf32>
    %mul3A_112 = vector.broadcast %broadcast_in_dim3A_111 : vector<1x128xf32> to vector<128x128xf32>
    %mul3A_113 = arith.mulf %reduce_sum3A_58, %mul3A_112 : vector<128x128xf32>
    %reduce_sum3A_114 = arith.constant dense<0.000000e+00> : vector<128xf32>
    %reduce_sum3A_115 = vector.multi_reduction <add>, %mul3A_113, %reduce_sum3A_114 [1] : vector<128x128xf32> to vector<128xf32>
    %slice3A_116 = vector.extract_strided_slice %squeeze3A_109 {offsets = [128], sizes = [128], strides = [1]} : vector<256xf32> to vector<128xf32>
    %broadcast_in_dim3A_117 = vector.shape_cast %slice3A_116 : vector<128xf32> to vector<1x128xf32>
    %mul3A_118 = vector.broadcast %broadcast_in_dim3A_117 : vector<1x128xf32> to vector<128x128xf32>
    %mul3A_119 = arith.mulf %reduce_sum3A_105, %mul3A_118 : vector<128x128xf32>
    %reduce_sum3A_120 = arith.constant dense<0.000000e+00> : vector<128xf32>
    %reduce_sum3A_121 = vector.multi_reduction <add>, %mul3A_119, %reduce_sum3A_120 [1] : vector<128x128xf32> to vector<128xf32>
    %add3A_122 = arith.addf %reduce_sum3A_115, %reduce_sum3A_121 : vector<128xf32>
    %get3A_123 = arith.constant 0 : index
    %get3A_124 = arith.constant 0 : index
    %get3A_125 = vector.load %arg15[%get3A_123, %get3A_124] : memref<1x1xf32, #tpu.memory_space<vmem>>, vector<1x1xf32>
    %squeeze3A_126 = vector.extract %get3A_125[0, 0] : f32 from vector<1x1xf32>
    %add3A_127 = vector.broadcast %squeeze3A_126 : f32 to vector<128xf32>
    %add3A_128 = arith.addf %add3A_122, %add3A_127 : vector<128xf32>
    %logistic3A_129 = arith.negf %add3A_128 : vector<128xf32>
    %logistic3A_130 = math.exp %logistic3A_129 : vector<128xf32>
    %logistic3A_131 = arith.constant 1.000000e+00 : f32
    %logistic3A_132 = vector.broadcast %logistic3A_131 : f32 to vector<128xf32>
    %logistic3A_133 = arith.addf %logistic3A_132, %logistic3A_130 : vector<128xf32>
    %logistic3A_134 = arith.divf %logistic3A_132, %logistic3A_133 : vector<128xf32>
    %broadcast_in_dim3A_135 = vector.shape_cast %logistic3A_134 : vector<128xf32> to vector<128x1xf32>
    %mul3A_136 = vector.broadcast %broadcast_in_dim3A_135 : vector<128x1xf32> to vector<128x128xf32>
    %mul3A_137 = arith.mulf %mul3A_136, %reduce_sum3A_58 : vector<128x128xf32>
    %add3A_138 = arith.addf %get3A_10, %mul3A_137 : vector<128x128xf32>
    %sub3A = arith.constant 1.000000e+00 : f32
    %sub3A_139 = vector.broadcast %sub3A : f32 to vector<128x1xf32>
    %sub3A_140 = arith.subf %sub3A_139, %broadcast_in_dim3A_135 : vector<128x1xf32>
    %mul3A_141 = vector.broadcast %sub3A_140 : vector<128x1xf32> to vector<128x128xf32>
    %mul3A_142 = arith.mulf %mul3A_141, %reduce_sum3A_105 : vector<128x128xf32>
    %add3A_143 = arith.addf %add3A_138, %mul3A_142 : vector<128x128xf32>
    %swap3A = arith.constant 0 : index
    %swap3A_144 = arith.constant 0 : index
    %swap3A_145 = vector.load %arg16[%swap3A, %swap3A_144] : memref<128x128xf32, #tpu.memory_space<vmem>>, vector<128x128xf32>
    tpu.vector_store %arg16[%swap3A, %swap3A_144], %add3A_143 {strides = array<i32>} : memref<128x128xf32, #tpu.memory_space<vmem>>, vector<128x128xf32>,
    return
  }
  func.func @transform_0(%arg0: i32) -> (i32, i32, i32) {
    %c0_i32 = arith.constant 0 : i32
    %c0_i32_0 = arith.constant 0 : i32
    %c0_i32_1 = arith.constant 0 : i32
    return %c0_i32, %arg0, %c0_i32_0 : i32, i32, i32
  }
  func.func @transform_1(%arg0: i32) -> (i32, i32, i32) {
    %c0_i32 = arith.constant 0 : i32
    %c0_i32_0 = arith.constant 0 : i32
    %c0_i32_1 = arith.constant 0 : i32
    return %c0_i32, %arg0, %c0_i32_0 : i32, i32, i32
  }
  func.func @transform_2(%arg0: i32) -> (i32, i32) {
    %c0_i32 = arith.constant 0 : i32
    %c0_i32_0 = arith.constant 0 : i32
    return %arg0, %c0_i32 : i32, i32
  }
  func.func @transform_3(%arg0: i32) -> (i32, i32) {
    %c0_i32 = arith.constant 0 : i32
    %c0_i32_0 = arith.constant 0 : i32
    %c0_i32_1 = arith.constant 0 : i32
    return %c0_i32, %c0_i32_0 : i32, i32
  }
  func.func @transform_4(%arg0: i32) -> (i32, i32) {
    %c0_i32 = arith.constant 0 : i32
    %c0_i32_0 = arith.constant 0 : i32
    %c0_i32_1 = arith.constant 0 : i32
    return %c0_i32, %c0_i32_0 : i32, i32
  }
  func.func @transform_5(%arg0: i32) -> (i32, i32) {
    %c0_i32 = arith.constant 0 : i32
    %c0_i32_0 = arith.constant 0 : i32
    %c0_i32_1 = arith.constant 0 : i32
    return %c0_i32, %c0_i32_0 : i32, i32
  }
  func.func @transform_6(%arg0: i32) -> (i32, i32) {
    %c0_i32 = arith.constant 0 : i32
    %c0_i32_0 = arith.constant 0 : i32
    %c0_i32_1 = arith.constant 0 : i32
    return %c0_i32, %c0_i32_0 : i32, i32
  }
  func.func @transform_7(%arg0: i32) -> (i32, i32) {
    %c0_i32 = arith.constant 0 : i32
    %c0_i32_0 = arith.constant 0 : i32
    %c0_i32_1 = arith.constant 0 : i32
    return %c0_i32, %c0_i32_0 : i32, i32
  }
  func.func @transform_8(%arg0: i32) -> (i32, i32) {
    %c0_i32 = arith.constant 0 : i32
    %c0_i32_0 = arith.constant 0 : i32
    %c0_i32_1 = arith.constant 0 : i32
    return %c0_i32, %c0_i32_0 : i32, i32
  }
  func.func @transform_9(%arg0: i32) -> (i32, i32) {
    %c0_i32 = arith.constant 0 : i32
    %c0_i32_0 = arith.constant 0 : i32
    %c0_i32_1 = arith.constant 0 : i32
    return %c0_i32, %c0_i32_0 : i32, i32
  }
  func.func @transform_10(%arg0: i32) -> (i32, i32) {
    %c0_i32 = arith.constant 0 : i32
    %c0_i32_0 = arith.constant 0 : i32
    %c0_i32_1 = arith.constant 0 : i32
    return %c0_i32, %c0_i32_0 : i32, i32
  }
  func.func @transform_11(%arg0: i32) -> (i32, i32) {
    %c0_i32 = arith.constant 0 : i32
    %c0_i32_0 = arith.constant 0 : i32
    %c0_i32_1 = arith.constant 0 : i32
    return %c0_i32, %c0_i32_0 : i32, i32
  }
  func.func @transform_12(%arg0: i32) -> (i32, i32) {
    %c0_i32 = arith.constant 0 : i32
    %c0_i32_0 = arith.constant 0 : i32
    %c0_i32_1 = arith.constant 0 : i32
    return %c0_i32, %c0_i32_0 : i32, i32
  }
  func.func @transform_13(%arg0: i32) -> (i32, i32) {
    %c0_i32 = arith.constant 0 : i32
    %c0_i32_0 = arith.constant 0 : i32
    %c0_i32_1 = arith.constant 0 : i32
    return %c0_i32, %c0_i32_0 : i32, i32
  }
  func.func @transform_14(%arg0: i32) -> (i32, i32) {
    %c0_i32 = arith.constant 0 : i32
    %c0_i32_0 = arith.constant 0 : i32
    %c0_i32_1 = arith.constant 0 : i32
    return %c0_i32, %c0_i32_0 : i32, i32
  }
  func.func @transform_15(%arg0: i32) -> (i32, i32) {
    %c0_i32 = arith.constant 0 : i32
    %c0_i32_0 = arith.constant 0 : i32
    return %arg0, %c0_i32 : i32, i32
  }
}

module attributes {stable_mosaic.version = 14 : i64} {
  func.func @_conv_body(%arg0: i32, %arg1: memref<1000x128xf32, #tpu.memory_space<vmem>>, %arg2: memref<1000x128xf32, #tpu.memory_space<vmem>>, %arg3: memref<1000x16xf32, #tpu.memory_space<vmem>>, %arg4: memref<1000x16xf32, #tpu.memory_space<vmem>>, %arg5: memref<1000x128xf32, #tpu.memory_space<vmem>>, %arg6: memref<128x128xf32, #tpu.memory_space<vmem>>, %arg7: memref<128x128xf32, #tpu.memory_space<vmem>>, %arg8: memref<1x128xf32, #tpu.memory_space<vmem>>, %arg9: memref<1000x128xf32, #tpu.memory_space<vmem>>) attributes {dimension_semantics = [#tpu.dimension_semantics<arbitrary>], iteration_bounds = array<i64: 10>, scalar_prefetch = 0 : i64, scratch_operands = 0 : i64, tpu.core_type = #tpu.core_type<tc>, window_params = [{transform_indices = @transform_0, window_bounds = array<i64: 1000, 128>}, {transform_indices = @transform_1, window_bounds = array<i64: 1000, 128>}, {transform_indices = @transform_2, window_bounds = array<i64: 1000, 16>}, {transform_indices = @transform_3, window_bounds = array<i64: 1000, 16>}, {transform_indices = @transform_4, window_bounds = array<i64: 1000, 128>}, {pipeline_mode = #tpu.pipeline_mode<synchronous>, transform_indices = @transform_5, window_bounds = array<i64: 128, 128>}, {pipeline_mode = #tpu.pipeline_mode<synchronous>, transform_indices = @transform_6, window_bounds = array<i64: 128, 128>}, {pipeline_mode = #tpu.pipeline_mode<synchronous>, transform_indices = @transform_7, window_bounds = array<i64: 1, 128>}, {transform_indices = @transform_8, window_bounds = array<i64: 1000, 128>}]} {
    %get3A = arith.constant 0 : index
    %get3A_0 = arith.constant 0 : index
    %get3A_1 = vector.load %arg1[%get3A, %get3A_0] : memref<1000x128xf32, #tpu.memory_space<vmem>>, vector<1000x128xf32>
    %get3A_2 = arith.constant 0 : index
    %get3A_3 = arith.constant 0 : index
    %get3A_4 = vector.load %arg2[%get3A_2, %get3A_3] : memref<1000x128xf32, #tpu.memory_space<vmem>>, vector<1000x128xf32>
    %add3A = arith.addf %get3A_1, %get3A_4 : vector<1000x128xf32>
    %get3A_5 = arith.constant 0 : index
    %get3A_6 = arith.constant 0 : index
    %get3A_7 = vector.load %arg3[%get3A_5, %get3A_6] : memref<1000x16xf32, #tpu.memory_space<vmem>>, vector<1000x16xf32>
    %get3A_8 = arith.constant 0 : index
    %get3A_9 = arith.constant 0 : index
    %get3A_10 = vector.load %arg4[%get3A_8, %get3A_9] : memref<1000x16xf32, #tpu.memory_space<vmem>>, vector<1000x16xf32>
    %add3A_11 = arith.addf %get3A_7, %get3A_10 : vector<1000x16xf32>
    %slice3A = vector.extract_strided_slice %add3A_11 {offsets = [0, 0], sizes = [1000, 1], strides = [1, 1]} : vector<1000x16xf32> to vector<1000x1xf32>
    %max3A = arith.constant 1.000000e+00 : f32
    %max3A_12 = vector.broadcast %max3A : f32 to vector<1000x1xf32>
    %max3A_13 = arith.maximumf %slice3A, %max3A_12 : vector<1000x1xf32>
    %div3A = vector.broadcast %max3A_13 : vector<1000x1xf32> to vector<1000x128xf32>
    %div3A_14 = arith.divf %add3A, %div3A : vector<1000x128xf32>
    %get3A_15 = arith.constant 0 : index
    %get3A_16 = arith.constant 0 : index
    %get3A_17 = vector.load %arg5[%get3A_15, %get3A_16] : memref<1000x128xf32, #tpu.memory_space<vmem>>, vector<1000x128xf32>
    %get3A_18 = arith.constant 0 : index
    %get3A_19 = arith.constant 0 : index
    %get3A_20 = vector.load %arg6[%get3A_18, %get3A_19] : memref<128x128xf32, #tpu.memory_space<vmem>>, vector<128x128xf32>
    %dot_general3A = arith.constant dense<0.000000e+00> : vector<1000x128xf32>
    %dot_general3A_21 = tpu.matmul %get3A_17, %get3A_20, %dot_general3A {dimension_numbers = #tpu.dot_dimension_numbers<[1], [1], [0], [0], [0, 0, 1, 0], [], []>, transpose_lhs_hint = false} : vector<1000x128xf32>, vector<128x128xf32>, vector<1000x128xf32> -> vector<1000x128xf32>
    %get3A_22 = arith.constant 0 : index
    %get3A_23 = arith.constant 0 : index
    %get3A_24 = vector.load %arg7[%get3A_22, %get3A_23] : memref<128x128xf32, #tpu.memory_space<vmem>>, vector<128x128xf32>
    %dot_general3A_25 = arith.constant dense<0.000000e+00> : vector<1000x128xf32>
    %dot_general3A_26 = tpu.matmul %div3A_14, %get3A_24, %dot_general3A_25 {dimension_numbers = #tpu.dot_dimension_numbers<[1], [1], [0], [0], [0, 0, 1, 0], [], []>, transpose_lhs_hint = false} : vector<1000x128xf32>, vector<128x128xf32>, vector<1000x128xf32> -> vector<1000x128xf32>
    %add3A_27 = arith.addf %dot_general3A_21, %dot_general3A_26 : vector<1000x128xf32>
    %get3A_28 = arith.constant 0 : index
    %get3A_29 = arith.constant 0 : index
    %get3A_30 = vector.load %arg8[%get3A_28, %get3A_29] : memref<1x128xf32, #tpu.memory_space<vmem>>, vector<1x128xf32>
    %add3A_31 = vector.broadcast %get3A_30 : vector<1x128xf32> to vector<1000x128xf32>
    %add3A_32 = arith.addf %add3A_27, %add3A_31 : vector<1000x128xf32>
    %max3A_33 = arith.constant 0.000000e+00 : f32
    %max3A_34 = vector.broadcast %max3A_33 : f32 to vector<1000x128xf32>
    %max3A_35 = arith.maximumf %add3A_32, %max3A_34 : vector<1000x128xf32>
    %add3A_36 = arith.addf %max3A_35, %get3A_17 : vector<1000x128xf32>
    %mul3A = arith.constant 5.000000e-01 : f32
    %mul3A_37 = vector.broadcast %mul3A : f32 to vector<1000x128xf32>
    %mul3A_38 = arith.mulf %add3A_36, %mul3A_37 : vector<1000x128xf32>
    %swap3A = arith.constant 0 : index
    %swap3A_39 = arith.constant 0 : index
    %swap3A_40 = vector.load %arg9[%swap3A, %swap3A_39] : memref<1000x128xf32, #tpu.memory_space<vmem>>, vector<1000x128xf32>
    tpu.vector_store %arg9[%swap3A, %swap3A_39], %mul3A_38 {strides = array<i32>} : memref<1000x128xf32, #tpu.memory_space<vmem>>, vector<1000x128xf32>,
    return
  }
  func.func @transform_0(%arg0: i32) -> (i32, i32) {
    %c0_i32 = arith.constant 0 : i32
    %c0_i32_0 = arith.constant 0 : i32
    return %arg0, %c0_i32 : i32, i32
  }
  func.func @transform_1(%arg0: i32) -> (i32, i32) {
    %c0_i32 = arith.constant 0 : i32
    %c0_i32_0 = arith.constant 0 : i32
    return %arg0, %c0_i32 : i32, i32
  }
  func.func @transform_2(%arg0: i32) -> (i32, i32) {
    %c0_i32 = arith.constant 0 : i32
    %c0_i32_0 = arith.constant 0 : i32
    return %arg0, %c0_i32 : i32, i32
  }
  func.func @transform_3(%arg0: i32) -> (i32, i32) {
    %c0_i32 = arith.constant 0 : i32
    %c0_i32_0 = arith.constant 0 : i32
    return %arg0, %c0_i32 : i32, i32
  }
  func.func @transform_4(%arg0: i32) -> (i32, i32) {
    %c0_i32 = arith.constant 0 : i32
    %c0_i32_0 = arith.constant 0 : i32
    return %arg0, %c0_i32 : i32, i32
  }
  func.func @transform_5(%arg0: i32) -> (i32, i32) {
    %c0_i32 = arith.constant 0 : i32
    %c0_i32_0 = arith.constant 0 : i32
    %c0_i32_1 = arith.constant 0 : i32
    return %c0_i32, %c0_i32_0 : i32, i32
  }
  func.func @transform_6(%arg0: i32) -> (i32, i32) {
    %c0_i32 = arith.constant 0 : i32
    %c0_i32_0 = arith.constant 0 : i32
    %c0_i32_1 = arith.constant 0 : i32
    return %c0_i32, %c0_i32_0 : i32, i32
  }
  func.func @transform_7(%arg0: i32) -> (i32, i32) {
    %c0_i32 = arith.constant 0 : i32
    %c0_i32_0 = arith.constant 0 : i32
    %c0_i32_1 = arith.constant 0 : i32
    return %c0_i32, %c0_i32_0 : i32, i32
  }
  func.func @transform_8(%arg0: i32) -> (i32, i32) {
    %c0_i32 = arith.constant 0 : i32
    %c0_i32_0 = arith.constant 0 : i32
    return %arg0, %c0_i32 : i32, i32
  }
}

module attributes {stable_mosaic.version = 14 : i64} {
  func.func @_score_body(%arg0: i32, %arg1: memref<1024x128xf32, #tpu.memory_space<vmem>>, %arg2: memref<2048x128xf32, #tpu.memory_space<vmem>>, %arg3: memref<1024x2048xf32, #tpu.memory_space<vmem>>) attributes {dimension_semantics = [#tpu.dimension_semantics<arbitrary>], iteration_bounds = array<i64: 5>, scalar_prefetch = 0 : i64, scratch_operands = 0 : i64, tpu.core_type = #tpu.core_type<tc>, window_params = [{pipeline_mode = #tpu.pipeline_mode<synchronous>, transform_indices = @transform_0, window_bounds = array<i64: 1024, 128>}, {transform_indices = @transform_1, window_bounds = array<i64: 2048, 128>}, {transform_indices = @transform_2, window_bounds = array<i64: 1024, 2048>}]} {
    %get3A = arith.constant 0 : index
    %get3A_0 = arith.constant 0 : index
    %get3A_1 = vector.load %arg1[%get3A, %get3A_0] : memref<1024x128xf32, #tpu.memory_space<vmem>>, vector<1024x128xf32>
    %get3A_2 = arith.constant 0 : index
    %get3A_3 = arith.constant 0 : index
    %get3A_4 = vector.load %arg2[%get3A_2, %get3A_3] : memref<2048x128xf32, #tpu.memory_space<vmem>>, vector<2048x128xf32>
    %dot_general3A = arith.constant dense<0.000000e+00> : vector<1024x2048xf32>
    %dot_general3A_5 = tpu.matmul %get3A_1, %get3A_4, %dot_general3A {dimension_numbers = #tpu.dot_dimension_numbers<[1], [1], [0], [0], [0, 0, 1, 0], [], []>, transpose_lhs_hint = false} : vector<1024x128xf32>, vector<2048x128xf32>, vector<1024x2048xf32> -> vector<1024x2048xf32>
    %swap3A = arith.constant 0 : index
    %swap3A_6 = arith.constant 0 : index
    %swap3A_7 = vector.load %arg3[%swap3A, %swap3A_6] : memref<1024x2048xf32, #tpu.memory_space<vmem>>, vector<1024x2048xf32>
    tpu.vector_store %arg3[%swap3A, %swap3A_6], %dot_general3A_5 {strides = array<i32>} : memref<1024x2048xf32, #tpu.memory_space<vmem>>, vector<1024x2048xf32>,
    return
  }
  func.func @transform_0(%arg0: i32) -> (i32, i32) {
    %c0_i32 = arith.constant 0 : i32
    %c0_i32_0 = arith.constant 0 : i32
    %c0_i32_1 = arith.constant 0 : i32
    return %c0_i32, %c0_i32_0 : i32, i32
  }
  func.func @transform_1(%arg0: i32) -> (i32, i32) {
    %c0_i32 = arith.constant 0 : i32
    %c0_i32_0 = arith.constant 0 : i32
    return %arg0, %c0_i32 : i32, i32
  }
  func.func @transform_2(%arg0: i32) -> (i32, i32) {
    %c0_i32 = arith.constant 0 : i32
    %c0_i32_0 = arith.constant 0 : i32
    return %c0_i32, %arg0 : i32, i32
  }
}

</mosaic_0001>

<sc_bundles>
// kernel: kernel.10.cloned.1.call-start
scs
__scs_entry_jumppad:
0x0: {  	(pc) =	sbr.rel $0x88, $3  }
0x1: {  	(tag) =	ssettag $0x0;
	lr =	simm.s32 $0x1  }
0x2: {  	[smem:$0x3F8C] =	sst lr;
	_ =	strace $0xD0000000  }
0x3: {  	_ = 	snop  }
0x4: {  	_ = 	snop  }
0x5: {  	_ = 	snop  }
0x6: {  	_ = 	snop  }
0x7: {  	_ = 	snop  }
__scs_overlays_trampoline_lowered:
0x8: {  	[smem:$0x3F9B] =	sst s0  }
0x9: {  	[smem:$0x3F9C] =	sst s1  }
0xa: {  	[smem:$0x3F9D] =	sst s2  }
0xb: {  	[smem:$0x3F9E] =	sst s3  }
0xc: {  	[smem:$0x3F9F] =	sst s4  }
0xd: {  	[smem:$0x3FA0] =	sst s5  }
0xe: {  	[smem:$0x3FA1] =	sst s6  }
0xf: {  	[smem:$0x3FA2] =	sst s7  }
0x10: {  	[smem:$0x3FA3] =	sst s8  }
0x11: {  	[smem:$0x3FA4] =	sst s9;
	s0 =	simm.s32 @!p0 $0x0  }
0x12: {  	s1 =	sld [smem:$0x3F8A];
	s0 =	simm.s32 @p0 $0x1  }
0x13: {  	[smem:$0x3FA5] =	sst s0;
	s0 =	simm.s32 @!p1 $0x0  }
0x14: {  	s2 =	sld [smem:$0x3F89];
	s0 =	simm.s32 @p1 $0x1  }
0x15: {  	[smem:$0x3FA6] =	sst s0;
	s0 =	simm.s32 @!p2 $0x0  }
0x16: {  	s3 =	sld [smem:$0x3FDB];
	s0 =	simm.s32 @p2 $0x1  }
0x17: {  	s4 =	simm.s32 $0x1BF5;
	[smem:$0x3FA8] =	sst s0  }
0x18: {  	s0 =	sld [smem:$0x3F8B];
	_ =	swait.ge [sflag:s4], $0x0  }
0x19: {  	s7 =	sld [smem:$0x3F8C]  }
0x1a: {  	s8 =	sadd.s32 $0xFFFFE003, lr  }
0x1b: {  	s9 =	sadd.s32 $0xFFFFFEF7, lr;
	s5 =	simm.s32 $0xFFFFFFFF;
	p2 =	slt.u32 s8, $0xFFFFF086  }
0x1c: {  	p1 =	slt.u32 s9, $0xF7A;
	s5 =	simm.s32 @!p2 $0x0  }
0x1d: {  	s5 =	simm.s32 @p1 $0x1;
	p0 =	seq.s32 s7, s2  }
0x1e: {  	s7 =	smul.u32 @!p0 $0xF7A, s2;
	p2 =	seq.s32 @!p0 s5, $0x0  }
0x1f: {  	s9 =	smul.u32 $0xF7A, s1;
	s8 =	simm.s32 @!p0 $0x1BF5;
	p2 =	por !p2, p0  }
0x20: {  	[sflag:s8] =	ssyncset.s32 @!p0 $0xFFFFF086;
	s6 =	sadd.s32 @!p0 s3, s7;
	s7 =	simm.s32 @!p0 $0x108  }
0x21: {  	s3 =	sadd.s32 s3, s9;
	s6 =	sadd.s32 @!p0 $0x88, s6;
	s7 =	simm.s32 @p2 $0x1082  }
0x22: {  	[simem:s7], [sflag:s8] =	dma.local @!p0 [hbm:s6], $0xF7A  }
0x23: {  	s9 =	sor.u32 $0xD0000000, s2;
	s6 =	simm.s32 $0x108;
	_ =	swait.ge @!p0 [sflag:s8], $0x0  }
0x24: {  	s3 =	sadd.s32 $0x88, s3;
	s6 =	simm.s32 @!p1 $0x1082;
	[sflag:s4] =	ssyncset.s32 $0xFFFFF086  }
0x25: {  	[simem:s6], [sflag:s4] =	dma.local [hbm:s3], $0xF7A  }
0x26: {  	[smem:$0x3F8C] =	sst s1;
	(tag) =	ssettag s2;
	_ =	strace s9  }
0x27: {  	s1 =	sld [smem:$0x3F9C]  }
0x28: {  	s2 =	sld [smem:$0x3F9D]  }
0x29: {  	s4 =	sld [smem:$0x3F9F]  }
0x2a: {  	p0 =	seq.s32 s5, $0x0;
	s5 =	sld [smem:$0x3FA0]  }
0x2b: {  	s6 =	sld [smem:$0x3FA1]  }
0x2c: {  	s7 =	sld [smem:$0x3FA2]  }
0x2d: {  	s3 =	simm.s32 $0x108;
	s8 =	sld [smem:$0x3FA3]  }
0x2e: {  	s3 =	simm.s32 @!p0 $0x1082;
	s9 =	sld [smem:$0x3FA4]  }
0x2f: {  	lr =	sadd.s32 s0, s3;
	s0 =	sld [smem:$0x3F9B]  }
0x30: {  	s3 =	sld [smem:$0x3F9E]  }
0x31: {  	[smem:$0x3FA7] =	sst s10  }
0x32: {  	s10 =	sld [smem:$0x3FA5];
	_ =	sdelay $0x3  }
0x33: {  	p0 =	seq.s32 s10, $0x1;
	s10 =	sld [smem:$0x3FA7];
	_ =	sdelay $0x3  }
0x34: {  	[smem:$0x3FA7] =	sst s10  }
0x35: {  	s10 =	sld [smem:$0x3FA6];
	_ =	sdelay $0x3  }
0x36: {  	p1 =	seq.s32 s10, $0x1;
	s10 =	sld [smem:$0x3FA7];
	_ =	sdelay $0x3  }
0x37: {  	[smem:$0x3FA7] =	sst s10  }
0x38: {  	s10 =	sld [smem:$0x3FA8]  }
0x39: {  	_ = 	snop;
	(pc) =	sbr.ind lr, $3  }
0x3a: {  	_ = 	snop  }
0x3b: {  	_ = 	snop  }
0x3c: {  	p2 =	seq.s32 s10, $0x1;
	s10 =	sld [smem:$0x3FA7]  }
0x3d: {  	_ =	shalt  }
0x3e: {  	_ =	shalt  }
0x3f: {  	_ =	shalt  }
0x40: {  	_ =	shalt  }
0x41: {  	_ =	shalt  }
0x42: {  	_ =	shalt  }
0x43: {  	_ =	shalt  }
0x44: {  	_ =	shalt  }
0x45: {  	_ =	shalt  }
0x46: {  	_ =	shalt  }
0x47: {  	_ =	shalt  }
0x48: {  	_ =	shalt  }
0x49: {  	_ =	shalt  }
0x4a: {  	_ =	shalt  }
0x4b: {  	_ =	shalt  }
0x4c: {  	_ =	shalt  }
0x4d: {  	_ =	shalt  }
0x4e: {  	_ =	shalt  }
0x4f: {  	_ =	shalt  }
0x50: {  	_ =	shalt  }
0x51: {  	_ =	shalt  }
0x52: {  	_ =	shalt  }
0x53: {  	_ =	shalt  }
0x54: {  	_ =	shalt  }
0x55: {  	_ =	shalt  }
0x56: {  	_ =	shalt  }
0x57: {  	_ =	shalt  }
0x58: {  	_ =	shalt  }
0x59: {  	_ =	shalt  }
0x5a: {  	_ =	shalt  }
0x5b: {  	_ =	shalt  }
0x5c: {  	_ =	shalt  }
0x5d: {  	_ =	shalt  }
0x5e: {  	_ =	shalt  }
0x5f: {  	_ =	shalt  }
0x60: {  	_ =	shalt  }
0x61: {  	_ =	shalt  }
0x62: {  	_ =	shalt  }
0x63: {  	_ =	shalt  }
0x64: {  	_ =	shalt  }
0x65: {  	_ =	shalt  }
0x66: {  	_ =	shalt  }
0x67: {  	_ =	shalt  }
0x68: {  	_ =	shalt  }
0x69: {  	_ =	shalt  }
0x6a: {  	_ =	shalt  }
0x6b: {  	_ =	shalt  }
0x6c: {  	_ =	shalt  }
0x6d: {  	_ =	shalt  }
0x6e: {  	_ =	shalt  }
0x6f: {  	_ =	shalt  }
0x70: {  	_ =	shalt  }
0x71: {  	_ =	shalt  }
0x72: {  	_ =	shalt  }
0x73: {  	_ =	shalt  }
0x74: {  	_ =	shalt  }
0x75: {  	_ =	shalt  }
0x76: {  	_ =	shalt  }
0x77: {  	_ =	shalt  }
0x78: {  	_ =	shalt  }
0x79: {  	_ =	shalt  }
0x7a: {  	_ =	shalt  }
0x7b: {  	_ =	shalt  }
0x7c: {  	_ =	shalt  }
0x7d: {  	_ =	shalt  }
0x7e: {  	_ =	shalt  }
0x7f: {  	_ =	shalt  }
0x80: {  	_ =	shalt  }
0x81: {  	_ =	shalt  }
0x82: {  	_ =	shalt  }
0x83: {  	_ =	shalt  }
0x84: {  	_ =	shalt  }
0x85: {  	_ =	shalt  }
0x86: {  	_ =	shalt  }
0x87: {  	_ =	shalt  }
.Lfunc_end0:
.L_simem_size_0:
called_computation.1_lowered:
.L_overlay_start_0:
0x88: {  	s2 =	sld [smem:$0x3FD9]  }
0x89: {  	s3 =	sld [smem:$0x3FFE];
	_ =	sdelay $0x1  }
0x8a: {  	s1 =	srdreg.scid  }
0x8b: {  	s0 =	sand.u32 $0x1, s1  }
0x8c: {  	s17 =	sshll.u32 s0, $0xA;
	s2 =	sadd.s32 s3, s2  }
0x8d: {  	s2 =	sadd.s32 s2, s17  }
0x8e: {  	[smem:$0x3FB3] =	sst s2  }
0x8f: {  	_ = 	snop  }
0x90: {  	s2 =	sld [smem:$0x3FC8]  }
0x91: {  	s18 =	sld [smem:$0x3FB8]  }
0x92: {  	s4 =	sld [smem:$0x3FD0];
	(tm) =	ssettm $0x1  }
0x93: {  	s5 =	sld [smem:$0x3FFB];
	_ =	sdelay $0x3  }
0x94: {  	_ =	strace s5  }
0x95: {  	s5 =	sld [smem:$0x3FFC];
	_ =	sdelay $0x3  }
0x96: {  	_ =	strace s5  }
0x97: {  	s5 =	sld [smem:$0x3FFD];
	_ =	sdelay $0x3  }
0x98: {  	_ =	strace s5  }
0x99: {  	_ =	strace $0x8FFFFFFF  }
0x9a: {  	s19 =	sld [smem:$0x3FDB];
	_ =	sdelay $0x1  }
0x9b: {  	s6 =	simm.s32 $_scs_section_size  }
0x9c: {  	s7 =	simm.s32 $_size__tile_overlayer_lowered;
	s8 =	simm.s32 $_tile_overlayer_lowered  }
0x9d: {  	s22 =	simm.s32 $0x1BFF;
	s21 =	sshll.u32 s8, $0x1;
	s5 =	sadd.s32 s6, s19  }
0x9e: {  	s9 =	simm.s32 $0x0;
	s20 =	sshll.u32 s7, $0x1;
	s7 =	sadd.s32 s21, s5  }
0x9f: {  	[timem:s9], [sflag:s22] =	dma.local [hbm:s7], s20  }
0xa0: {  	_ =	swait.ge [sflag:s22], s20  }
0xa1: {  	s6 =	ssub.s32 $0x0, s20;
	[sflag:s22] =	ssyncset.done $0x0  }
0xa2: {  	[sflag:s22] =	ssyncadd.s32 s6;
	_ =	sdelay $0x1  }
0xa3: {  	s23 =	simm.s32 $0x1B8B  }
0xa4: {  	_ =	swait.ge [sflag:s23], $0x1  }
0xa5: {  	[sflag:s23] =	ssyncset.done $0x0  }
0xa6: {  	s25 =	simm.s32 $0x1B8E;
	s24 =	sld [smem:$0x3FFE];
	[sflag:s23] =	ssyncadd.s32 $0xFFFFFFFF  }
0xa7: {  	s26 =	simm.s32 $execute0_lowered;
	[smem:$0x3FD2] =	sst s25  }
0xa8: {  	s7 =	sshll.u32 s26, $0x1;
	_ =	strace $0x80000049;
	[dreg:$0x1] =	wrdreg $0xFFFFFFFF  }
0xa9: {  	s28 =	simm.s32 $_size_execute0_lowered;
	s5 =	sadd.s32 s5, s7;
	[dreg:$0x0] =	wrdreg $0x0  }
0xaa: {  	s7 =	sshll.u32 s28, $0x1;
	[dreg:$0x2] =	wrdreg s5  }
0xab: {  	[dreg:$0x3] =	wrdreg s7  }
0xac: {  	[dreg:$0x4] =	wrdreg $0xC0  }
0xad: {  	_ =	task [dreg:s9], $0x5FFFF  }
0xae: {  	[dreg:$0x1] =	wrdreg $0xFFFFFFFF  }
0xaf: {  	[dreg:$0x0] =	wrdreg $0x60  }
0xb0: {  	[dreg:$0x2] =	wrdreg s24  }
0xb1: {  	[dreg:$0x3] =	wrdreg s2  }
0xb2: {  	[dreg:$0x4] =	wrdreg s18  }
0xb3: {  	[dreg:$0x5] =	wrdreg s4  }
0xb4: {  	[dreg:$0x6] =	wrdreg $0x9  }
0xb5: {  	_ =	task.clear_ibuf [dreg:s9], $0x7FFFF;
	_ =	strace $0x90000049  }
0xb6: {  	s29 =	simm.s32 $0x9;
	_ =	strace $0x8000004B  }
0xb7: {  	_ =	swait.ge [sflag:s29], $0x1  }
0xb8: {  	[sflag:s29] =	ssyncadd.s32 $0xFFFFFFFF  }
0xb9: {  	_ =	strace $0x9000004B  }
0xba: {  	_ =	sfence  }
0xbb: {  	s30 =	sld [smem:$0x0];
	_ =	sdelay $0x2  }
0xbc: {  	s31 =	sshll.u32 s1, $0xD;
	s1 =	sshrl.u32 s1, $0x2  }
0xbd: {  	s3 =	sand.u32 $0x4000, s31;
	s1 =	sadd.s32 s1, s30  }
0xbe: {  	s0 =	sor.u32 s3, s0;
	s1 =	sshll.u32 s1, $0x11  }
0xbf: {  	s0 =	sor.u32 s1, s0  }
0xc0: {  	s0 =	sadd.s32 $0x8F2B, s0  }
0xc1: {  	[sflag:s0] =	ssyncadd.remote.s32 $0x1  }
0xc2: {  	_ =	sfence.sel $0xFFFF  }
0xc3: {  	[dreg:$0x0] =	wrdreg $0xFFFFFFFF;
	(pc) =	sbr.abs _section_cstart, $3  }
0xc4: {  	[dreg:$0x1] =	wrdreg $0xFFFFFFFF  }
0xc5: {  	_ =	task.clear_ibuf [dreg:s9], $0x2FFFF;
	_ =	strace $0x9FFFFFFF  }
0xc6: {  	(tm) =	ssettm $0x7FFFFFFF  }
0xc7: {  	_ =	shalt  }
tec
execute0_lowered:
.L_overlay_start_1:
0x0: {  	(tag) =	ssettag $0x1  }
0x1: {  	s19 =	rddreg [dreg:$0x0]  }
0x2: {  	s1 =	rddreg [dreg:$0x1]  }
0x3: {  	s4 =	rddreg [dreg:$0x2];
	s0 =	srdreg.scid  }
0x4: {  	s17 =	rddreg [dreg:$0x3];
	s0 =	sand.u32 $0x1, s0  }
0x5: {  	s3 =	simm.s32 $0x0;
	s2 =	stileid.u32;
	s5 =	sshll.u32 s0, $0x4  }
0x6: {  	[smem:$0x7FF] =	sst s3;
	s16 =	sadd.s32 $0x21800, s19;
	s9 =	sor.u32 s2, s5  }
0x7: {  	s5 =	sshll.u32 s9, $0x9;
	s28 =	smul.u32 $0x280, s9;
	s6 =	sshll.u32 s9, $0x2  }
0x8: {  	_ =	strace $0x8000004A;
	s5 =	sadd.s32 s5, s19;
	s4 =	sadd.s32 s4, s6  }
0x9: {  	[dreg:$0x5] =	wrdreg s4;
	s26 =	sadd.s32 $0x3A00, s5;
	s18 =	sshrl.u32 s28, $0x3  }
0xa: {  	s4 =	simm.s32 $0x2;
	[dreg:$0x6] =	wrdreg s26;
	s5 =	sadd.s32 s16, s18  }
0xb: {  	[tilespmem:s3], [sflag:$0x2] =	stream.linear.gather [hbm4b:s5+s3], $0x80, $0x38;
	[tilespmem:$0x5100] =	vst v63  }
0xc: {  	_ =	swait.ge [sflag:s4], $0x80  }
0xd: {  	s7 =	simm.s32 $0x80;
	[sflag:s4] =	ssyncset.done $0x0  }
0xe: {  	s8 =	simm.s32 $0x1;
	s6 =	sadd.s32 $0x22C00, s19;
	[sflag:s4] =	ssyncadd.s32 $0xFFFFFF80  }
0xf: {  	[tilespmem:s7], [sflag:$0x1] =	stream.indirect.gather [hbm4b:s6+s7], $0x80, s3, s7, $0xb8;
	[tilespmem:$0x5100] =	vst v63  }
0x10: {  	s20 =	smul.u32 $0x2800, s9;
	_ =	swait.ge [sflag:s8], $0x4000  }
0x11: {  	[sflag:s8] =	ssyncset.done $0x0  }
0x12: {  	s9 =	sadd.s32 s17, s20;
	[sflag:s8] =	ssyncadd.s32 $0xFFFFC000  }
0x13: {  	[hbm4b:s9+s3] =	stream.linear.scatter [tilespmem:s7], [sflag:$0x2], $0x4000, $0x38;
	[tilespmem:$0x5100] =	vst v63  }
0x14: {  	s11 =	sadd.s32 $0x80, s28;
	_ =	swait.ge [sflag:s4], $0x4000  }
0x15: {  	s21 =	sshrl.u32 s11, $0x3;
	[sflag:s4] =	ssyncset.done $0x0  }
0x16: {  	s10 =	sadd.s32 s16, s21;
	[sflag:s4] =	ssyncadd.s32 $0xFFFFC000  }
0x17: {  	[tilespmem:s3], [sflag:$0x2] =	stream.linear.gather [hbm4b:s10+s3], $0x80, $0x38;
	[tilespmem:$0x5100] =	vst v63  }
0x18: {  	_ =	swait.ge [sflag:s4], $0x80  }
0x19: {  	[sflag:s4] =	ssyncset.done $0x0  }
0x1a: {  	[sflag:s4] =	ssyncadd.s32 $0xFFFFFF80  }
0x1b: {  	[tilespmem:s7], [sflag:$0x1] =	stream.indirect.gather [hbm4b:s6+s7], $0x80, s3, s7, $0xb8;
	[tilespmem:$0x5100] =	vst v63  }
0x1c: {  	_ =	swait.ge [sflag:s8], $0x4000  }
0x1d: {  	s22 =	sshll.u32 s11, $0x4;
	[sflag:s8] =	ssyncset.done $0x0  }
0x1e: {  	s11 =	sadd.s32 s17, s22;
	[sflag:s8] =	ssyncadd.s32 $0xFFFFC000  }
0x1f: {  	[hbm4b:s11+s3] =	stream.linear.scatter [tilespmem:s7], [sflag:$0x2], $0x4000, $0x38;
	[tilespmem:$0x5100] =	vst v63  }
0x20: {  	s13 =	sadd.s32 $0x100, s28;
	_ =	swait.ge [sflag:s4], $0x4000  }
0x21: {  	s23 =	sshrl.u32 s13, $0x3;
	[sflag:s4] =	ssyncset.done $0x0  }
0x22: {  	s12 =	sadd.s32 s16, s23;
	[sflag:s4] =	ssyncadd.s32 $0xFFFFC000  }
0x23: {  	[tilespmem:s3], [sflag:$0x2] =	stream.linear.gather [hbm4b:s12+s3], $0x80, $0x38;
	[tilespmem:$0x5100] =	vst v63  }
0x24: {  	_ =	swait.ge [sflag:s4], $0x80  }
0x25: {  	[sflag:s4] =	ssyncset.done $0x0  }
0x26: {  	[sflag:s4] =	ssyncadd.s32 $0xFFFFFF80  }
0x27: {  	[tilespmem:s7], [sflag:$0x1] =	stream.indirect.gather [hbm4b:s6+s7], $0x80, s3, s7, $0xb8;
	[tilespmem:$0x5100] =	vst v63  }
0x28: {  	_ =	swait.ge [sflag:s8], $0x4000  }
0x29: {  	s24 =	sshll.u32 s13, $0x4;
	[sflag:s8] =	ssyncset.done $0x0  }
0x2a: {  	s13 =	sadd.s32 s17, s24;
	[sflag:s8] =	ssyncadd.s32 $0xFFFFC000  }
0x2b: {  	[hbm4b:s13+s3] =	stream.linear.scatter [tilespmem:s7], [sflag:$0x2], $0x4000, $0x38;
	[tilespmem:$0x5100] =	vst v63  }
0x2c: {  	s15 =	sadd.s32 $0x180, s28;
	_ =	swait.ge [sflag:s4], $0x4000  }
0x2d: {  	s25 =	sshrl.u32 s15, $0x3;
	[sflag:s4] =	ssyncset.done $0x0  }
0x2e: {  	s14 =	sadd.s32 s16, s25;
	[sflag:s4] =	ssyncadd.s32 $0xFFFFC000  }
0x2f: {  	[tilespmem:s3], [sflag:$0x2] =	stream.linear.gather [hbm4b:s14+s3], $0x80, $0x38;
	[tilespmem:$0x5100] =	vst v63  }
0x30: {  	_ =	swait.ge [sflag:s4], $0x80  }
0x31: {  	[sflag:s4] =	ssyncset.done $0x0  }
0x32: {  	[sflag:s4] =	ssyncadd.s32 $0xFFFFFF80  }
0x33: {  	[tilespmem:s7], [sflag:$0x1] =	stream.indirect.gather [hbm4b:s6+s7], $0x80, s3, s7, $0xb8;
	[tilespmem:$0x5100] =	vst v63  }
0x34: {  	_ =	swait.ge [sflag:s8], $0x4000  }
0x35: {  	s26 =	sshll.u32 s15, $0x4;
	[sflag:s8] =	ssyncset.done $0x0  }
0x36: {  	s15 =	sadd.s32 s17, s26;
	[sflag:s8] =	ssyncadd.s32 $0xFFFFC000  }
0x37: {  	[hbm4b:s15+s3] =	stream.linear.scatter [tilespmem:s7], [sflag:$0x2], $0x4000, $0x38;
	[tilespmem:$0x5100] =	vst v63  }
0x38: {  	s29 =	sadd.s32 $0x200, s28;
	_ =	swait.ge [sflag:s4], $0x4000  }
0x39: {  	s28 =	sshrl.u32 s29, $0x3;
	[sflag:s4] =	ssyncset.done $0x0  }
0x3a: {  	s16 =	sadd.s32 s16, s28;
	[sflag:s4] =	ssyncadd.s32 $0xFFFFC000  }
0x3b: {  	[tilespmem:s3], [sflag:$0x2] =	stream.linear.gather [hbm4b:s16+s3], $0x80, $0x38;
	[tilespmem:$0x5100] =	vst v63  }
0x3c: {  	_ =	swait.ge [sflag:s4], $0x80  }
0x3d: {  	[sflag:s4] =	ssyncset.done $0x0  }
0x3e: {  	[sflag:s4] =	ssyncadd.s32 $0xFFFFFF80  }
0x3f: {  	[tilespmem:s7], [sflag:$0x1] =	stream.indirect.gather [hbm4b:s6+s7], $0x80, s3, s7, $0xb8;
	[tilespmem:$0x5100] =	vst v63  }
0x40: {  	_ =	swait.ge [sflag:s8], $0x4000  }
0x41: {  	s29 =	sshll.u32 s29, $0x4;
	[sflag:s8] =	ssyncset.done $0x0  }
0x42: {  	s17 =	sadd.s32 s17, s29;
	[sflag:s8] =	ssyncadd.s32 $0xFFFFC000  }
0x43: {  	[hbm4b:s17+s3] =	stream.linear.scatter [tilespmem:s7], [sflag:$0x2], $0x4000, $0x38;
	[tilespmem:$0x5100] =	vst v63  }
0x44: {  	_ =	swait.ge [sflag:s4], $0x4000  }
0x45: {  	s30 =	sadd.s32 $0x22200, s19;
	[sflag:s4] =	ssyncset.done $0x0  }
0x46: {  	s18 =	sadd.s32 s30, s18;
	[sflag:s4] =	ssyncadd.s32 $0xFFFFC000  }
0x47: {  	[tilespmem:s3], [sflag:$0x2] =	stream.linear.gather [hbm4b:s18+s3], $0x80, $0x38;
	[tilespmem:$0x5100] =	vst v63  }
0x48: {  	_ =	swait.ge [sflag:s4], $0x80  }
0x49: {  	[sflag:s4] =	ssyncset.done $0x0  }
0x4a: {  	[sflag:s4] =	ssyncadd.s32 $0xFFFFFF80  }
0x4b: {  	[tilespmem:s7], [sflag:$0x1] =	stream.indirect.gather [hbm4b:s1+s7], $0x80, s3, s7, $0xb8;
	[tilespmem:$0x5100] =	vst v63  }
0x4c: {  	_ =	swait.ge [sflag:s8], $0x4000  }
0x4d: {  	s31 =	sadd.s32 $0x49E00, s19;
	[sflag:s8] =	ssyncset.done $0x0  }
0x4e: {  	s19 =	sadd.s32 s31, s20;
	[sflag:s8] =	ssyncadd.s32 $0xFFFFC000  }
0x4f: {  	[hbm4b:s19+s3] =	stream.linear.scatter [tilespmem:s7], [sflag:$0x2], $0x4000, $0x38;
	[tilespmem:$0x5100] =	vst v63  }
0x50: {  	_ =	swait.ge [sflag:s4], $0x4000  }
0x51: {  	[sflag:s4] =	ssyncset.done $0x0  }
0x52: {  	s20 =	sadd.s32 s30, s21;
	[sflag:s4] =	ssyncadd.s32 $0xFFFFC000  }
0x53: {  	[tilespmem:s3], [sflag:$0x2] =	stream.linear.gather [hbm4b:s20+s3], $0x80, $0x38;
	[tilespmem:$0x5100] =	vst v63  }
0x54: {  	_ =	swait.ge [sflag:s4], $0x80  }
0x55: {  	[sflag:s4] =	ssyncset.done $0x0  }
0x56: {  	[sflag:s4] =	ssyncadd.s32 $0xFFFFFF80  }
0x57: {  	[tilespmem:s7], [sflag:$0x1] =	stream.indirect.gather [hbm4b:s1+s7], $0x80, s3, s7, $0xb8;
	[tilespmem:$0x5100] =	vst v63  }
0x58: {  	_ =	swait.ge [sflag:s8], $0x4000  }
0x59: {  	[sflag:s8] =	ssyncset.done $0x0  }
0x5a: {  	s21 =	sadd.s32 s31, s22;
	[sflag:s8] =	ssyncadd.s32 $0xFFFFC000  }
0x5b: {  	[hbm4b:s21+s3] =	stream.linear.scatter [tilespmem:s7], [sflag:$0x2], $0x4000, $0x38;
	[tilespmem:$0x5100] =	vst v63  }
0x5c: {  	_ =	swait.ge [sflag:s4], $0x4000  }
0x5d: {  	[sflag:s4] =	ssyncset.done $0x0  }
0x5e: {  	s22 =	sadd.s32 s30, s23;
	[sflag:s4] =	ssyncadd.s32 $0xFFFFC000  }
0x5f: {  	[tilespmem:s3], [sflag:$0x2] =	stream.linear.gather [hbm4b:s22+s3], $0x80, $0x38;
	[tilespmem:$0x5100] =	vst v63  }
0x60: {  	_ =	swait.ge [sflag:s4], $0x80  }
0x61: {  	[sflag:s4] =	ssyncset.done $0x0  }
0x62: {  	[sflag:s4] =	ssyncadd.s32 $0xFFFFFF80  }
0x63: {  	[tilespmem:s7], [sflag:$0x1] =	stream.indirect.gather [hbm4b:s1+s7], $0x80, s3, s7, $0xb8;
	[tilespmem:$0x5100] =	vst v63  }
0x64: {  	_ =	swait.ge [sflag:s8], $0x4000  }
0x65: {  	[sflag:s8] =	ssyncset.done $0x0  }
0x66: {  	s23 =	sadd.s32 s31, s24;
	[sflag:s8] =	ssyncadd.s32 $0xFFFFC000  }
0x67: {  	[hbm4b:s23+s3] =	stream.linear.scatter [tilespmem:s7], [sflag:$0x2], $0x4000, $0x38;
	[tilespmem:$0x5100] =	vst v63  }
0x68: {  	_ =	swait.ge [sflag:s4], $0x4000  }
0x69: {  	[sflag:s4] =	ssyncset.done $0x0  }
0x6a: {  	s24 =	sadd.s32 s30, s25;
	[sflag:s4] =	ssyncadd.s32 $0xFFFFC000  }
0x6b: {  	[tilespmem:s3], [sflag:$0x2] =	stream.linear.gather [hbm4b:s24+s3], $0x80, $0x38;
	[tilespmem:$0x5100] =	vst v63  }
0x6c: {  	_ =	swait.ge [sflag:s4], $0x80  }
0x6d: {  	[sflag:s4] =	ssyncset.done $0x0  }
0x6e: {  	[sflag:s4] =	ssyncadd.s32 $0xFFFFFF80  }
0x6f: {  	[tilespmem:s7], [sflag:$0x1] =	stream.indirect.gather [hbm4b:s1+s7], $0x80, s3, s7, $0xb8;
	[tilespmem:$0x5100] =	vst v63  }
0x70: {  	_ =	swait.ge [sflag:s8], $0x4000  }
0x71: {  	[sflag:s8] =	ssyncset.done $0x0  }
0x72: {  	s25 =	sadd.s32 s31, s26;
	[sflag:s8] =	ssyncadd.s32 $0xFFFFC000  }
0x73: {  	[hbm4b:s25+s3] =	stream.linear.scatter [tilespmem:s7], [sflag:$0x2], $0x4000, $0x38;
	[tilespmem:$0x5100] =	vst v63  }
0x74: {  	_ =	swait.ge [sflag:s4], $0x4000  }
0x75: {  	[sflag:s4] =	ssyncset.done $0x0  }
0x76: {  	s26 =	sadd.s32 s30, s28;
	[sflag:s4] =	ssyncadd.s32 $0xFFFFC000  }
0x77: {  	[tilespmem:s3], [sflag:$0x2] =	stream.linear.gather [hbm4b:s26+s3], $0x80, $0x38;
	[tilespmem:$0x5100] =	vst v63  }
0x78: {  	_ =	swait.ge [sflag:s4], $0x80  }
0x79: {  	[sflag:s4] =	ssyncset.done $0x0  }
0x7a: {  	[sflag:s4] =	ssyncadd.s32 $0xFFFFFF80  }
0x7b: {  	[tilespmem:s7], [sflag:$0x1] =	stream.indirect.gather [hbm4b:s1+s7], $0x80, s3, s7, $0xb8;
	[tilespmem:$0x5100] =	vst v63  }
0x7c: {  	_ =	swait.ge [sflag:s8], $0x4000  }
0x7d: {  	[sflag:s8] =	ssyncset.done $0x0  }
0x7e: {  	s28 =	sadd.s32 s31, s29;
	[sflag:s8] =	ssyncadd.s32 $0xFFFFC000  }
0x7f: {  	[hbm4b:s28+s3] =	stream.linear.scatter [tilespmem:s7], [sflag:$0x2], $0x4000, $0x38;
	[tilespmem:$0x5100] =	vst v63  }
0x80: {  	_ =	swait.ge [sflag:s4], $0x4000  }
0x81: {  	[sflag:s4] =	ssyncset.done $0x0  }
0x82: {  	s29 =	simm.s32 $0x4080;
	s30 =	rddreg [dreg:$0x5];
	[sflag:s4] =	ssyncadd.s32 $0xFFFFC000  }
0x83: {  	[tilespmem:s29], [sflag:$0x2] =	stream.linear.gather [hbm4b:s30+s3], $0x20, $0x38;
	[tilespmem:$0x5100] =	vst v63  }
0x84: {  	_ =	swait.ge [sflag:s4], $0x20  }
0x85: {  	[sflag:s4] =	ssyncset.done $0x0  }
0x86: {  	[sflag:s4] =	ssyncadd.s32 $0xFFFFFFE0  }
0x87: {  	v0 =	vld [tilespmem:$0x4080]  }
0x88: {  	v1 =	vld [tilespmem:$0x4090];
	_ =	sdelay $0x3  }
0x89: {  	v0 =	vadd.s32 $0x1F40, v0  }
0x8a: {  	v63 =	vadd.s32 $0x1F40, v1;
	[tilespmem:$0x4080] =	vst v0  }
0x8b: {  	s31 =	simm.s32 $0x4100;
	s30 =	simm.s32 $0x20;
	[tilespmem:$0x4090] =	vst v63  }
0x8c: {  	[tilespmem:s31], [sflag:$0x1] =	stream.indirect.gather [hbm4b:s6+s30], $0x80, s29, s30, $0xb8;
	[tilespmem:$0x5100] =	vst v63  }
0x8d: {  	_ =	swait.ge [sflag:s8], $0x1000  }
0x8e: {  	s0 =	ssub.s32 $0x2, s0;
	s2 =	rddreg [dreg:$0x6]  }
0x8f: {  	[dreg:$0x7] =	wrdreg s2;
	s2 =	sshrl.u32 s0, $0x1  }
0x90: {  	s0 =	ssub.s32 s0, s2  }
0x91: {  	s0 =	smax.u32 s0, $0x1  }
0x92: {  	p0 =	sne.s32 s0, $0x1  }
.Ltmp0:
0x93: {  	_ = 	snop;
	(pc) =	sbr.rel @!p0 .LBB2_2-.Ltmp0, $4  }
0x94: {  	[sflag:s8] =	ssyncset.done $0x0  }
0x95: {  	[sflag:s8] =	ssyncadd.s32 $0xFFFFF000;
	s2 =	rddreg [dreg:$0x7]  }
0x96: {  	[hbm4b:s2+s3] =	stream.linear.scatter [tilespmem:s31], [sflag:$0x2], $0x1000, $0x38;
	[tilespmem:$0x5100] =	vst v63  }
0x97: {  	s0 =	sadd.s32 $0xFFFFFFFF, s0;
	_ =	swait.ge [sflag:s4], $0x1000  }
.LBB2_1:
0x98: {  	[sflag:s4] =	ssyncset.done $0x0  }
0x99: {  	[sflag:s4] =	ssyncadd.s32 $0xFFFFF000  }
0x9a: {  	[tilespmem:s3], [sflag:$0x2] =	stream.linear.gather [hbm4b:s5+s3], $0x80, $0x38;
	[tilespmem:$0x5100] =	vst v63  }
0x9b: {  	_ =	swait.ge [sflag:s4], $0x80  }
0x9c: {  	[sflag:s4] =	ssyncset.done $0x0  }
0x9d: {  	[sflag:s4] =	ssyncadd.s32 $0xFFFFFF80  }
0x9e: {  	[tilespmem:s7], [sflag:$0x1] =	stream.indirect.gather [hbm4b:s6+s7], $0x80, s3, s7, $0xb8;
	[tilespmem:$0x5100] =	vst v63  }
0x9f: {  	_ =	swait.ge [sflag:s8], $0x4000  }
0xa0: {  	[sflag:s8] =	ssyncset.done $0x0  }
0xa1: {  	[sflag:s8] =	ssyncadd.s32 $0xFFFFC000  }
0xa2: {  	[hbm4b:s9+s3] =	stream.linear.scatter [tilespmem:s7], [sflag:$0x2], $0x4000, $0x38;
	[tilespmem:$0x5100] =	vst v63  }
0xa3: {  	_ =	swait.ge [sflag:s4], $0x4000  }
0xa4: {  	[sflag:s4] =	ssyncset.done $0x0  }
0xa5: {  	[sflag:s4] =	ssyncadd.s32 $0xFFFFC000  }
0xa6: {  	[tilespmem:s3], [sflag:$0x2] =	stream.linear.gather [hbm4b:s10+s3], $0x80, $0x38;
	[tilespmem:$0x5100] =	vst v63  }
0xa7: {  	_ =	swait.ge [sflag:s4], $0x80  }
0xa8: {  	[sflag:s4] =	ssyncset.done $0x0  }
0xa9: {  	[sflag:s4] =	ssyncadd.s32 $0xFFFFFF80  }
0xaa: {  	[tilespmem:s7], [sflag:$0x1] =	stream.indirect.gather [hbm4b:s6+s7], $0x80, s3, s7, $0xb8;
	[tilespmem:$0x5100] =	vst v63  }
0xab: {  	_ =	swait.ge [sflag:s8], $0x4000  }
0xac: {  	[sflag:s8] =	ssyncset.done $0x0  }
0xad: {  	[sflag:s8] =	ssyncadd.s32 $0xFFFFC000  }
0xae: {  	[hbm4b:s11+s3] =	stream.linear.scatter [tilespmem:s7], [sflag:$0x2], $0x4000, $0x38;
	[tilespmem:$0x5100] =	vst v63  }
0xaf: {  	_ =	swait.ge [sflag:s4], $0x4000  }
0xb0: {  	[sflag:s4] =	ssyncset.done $0x0  }
0xb1: {  	[sflag:s4] =	ssyncadd.s32 $0xFFFFC000  }
0xb2: {  	[tilespmem:s3], [sflag:$0x2] =	stream.linear.gather [hbm4b:s12+s3], $0x80, $0x38;
	[tilespmem:$0x5100] =	vst v63  }
0xb3: {  	_ =	swait.ge [sflag:s4], $0x80  }
0xb4: {  	[sflag:s4] =	ssyncset.done $0x0  }
0xb5: {  	[sflag:s4] =	ssyncadd.s32 $0xFFFFFF80  }
0xb6: {  	[tilespmem:s7], [sflag:$0x1] =	stream.indirect.gather [hbm4b:s6+s7], $0x80, s3, s7, $0xb8;
	[tilespmem:$0x5100] =	vst v63  }
0xb7: {  	_ =	swait.ge [sflag:s8], $0x4000  }
0xb8: {  	[sflag:s8] =	ssyncset.done $0x0  }
0xb9: {  	[sflag:s8] =	ssyncadd.s32 $0xFFFFC000  }
0xba: {  	[hbm4b:s13+s3] =	stream.linear.scatter [tilespmem:s7], [sflag:$0x2], $0x4000, $0x38;
	[tilespmem:$0x5100] =	vst v63  }
0xbb: {  	_ =	swait.ge [sflag:s4], $0x4000  }
0xbc: {  	[sflag:s4] =	ssyncset.done $0x0  }
0xbd: {  	[sflag:s4] =	ssyncadd.s32 $0xFFFFC000  }
0xbe: {  	[tilespmem:s3], [sflag:$0x2] =	stream.linear.gather [hbm4b:s14+s3], $0x80, $0x38;
	[tilespmem:$0x5100] =	vst v63  }
0xbf: {  	_ =	swait.ge [sflag:s4], $0x80  }
0xc0: {  	[sflag:s4] =	ssyncset.done $0x0  }
0xc1: {  	[sflag:s4] =	ssyncadd.s32 $0xFFFFFF80  }
0xc2: {  	[tilespmem:s7], [sflag:$0x1] =	stream.indirect.gather [hbm4b:s6+s7], $0x80, s3, s7, $0xb8;
	[tilespmem:$0x5100] =	vst v63  }
0xc3: {  	_ =	swait.ge [sflag:s8], $0x4000  }
0xc4: {  	[sflag:s8] =	ssyncset.done $0x0  }
0xc5: {  	[sflag:s8] =	ssyncadd.s32 $0xFFFFC000  }
0xc6: {  	[hbm4b:s15+s3] =	stream.linear.scatter [tilespmem:s7], [sflag:$0x2], $0x4000, $0x38;
	[tilespmem:$0x5100] =	vst v63  }
0xc7: {  	_ =	swait.ge [sflag:s4], $0x4000  }
0xc8: {  	[sflag:s4] =	ssyncset.done $0x0  }
0xc9: {  	[sflag:s4] =	ssyncadd.s32 $0xFFFFC000  }
0xca: {  	[tilespmem:s3], [sflag:$0x2] =	stream.linear.gather [hbm4b:s16+s3], $0x80, $0x38;
	[tilespmem:$0x5100] =	vst v63  }
0xcb: {  	_ =	swait.ge [sflag:s4], $0x80  }
0xcc: {  	[sflag:s4] =	ssyncset.done $0x0  }
0xcd: {  	[sflag:s4] =	ssyncadd.s32 $0xFFFFFF80  }
0xce: {  	[tilespmem:s7], [sflag:$0x1] =	stream.indirect.gather [hbm4b:s6+s7], $0x80, s3, s7, $0xb8;
	[tilespmem:$0x5100] =	vst v63  }
0xcf: {  	_ =	swait.ge [sflag:s8], $0x4000  }
0xd0: {  	[sflag:s8] =	ssyncset.done $0x0  }
0xd1: {  	[sflag:s8] =	ssyncadd.s32 $0xFFFFC000  }
0xd2: {  	[hbm4b:s17+s3] =	stream.linear.scatter [tilespmem:s7], [sflag:$0x2], $0x4000, $0x38;
	[tilespmem:$0x5100] =	vst v63  }
0xd3: {  	_ =	swait.ge [sflag:s4], $0x4000  }
0xd4: {  	[sflag:s4] =	ssyncset.done $0x0  }
0xd5: {  	[sflag:s4] =	ssyncadd.s32 $0xFFFFC000  }
0xd6: {  	[tilespmem:s3], [sflag:$0x2] =	stream.linear.gather [hbm4b:s18+s3], $0x80, $0x38;
	[tilespmem:$0x5100] =	vst v63  }
0xd7: {  	_ =	swait.ge [sflag:s4], $0x80  }
0xd8: {  	[sflag:s4] =	ssyncset.done $0x0  }
0xd9: {  	[sflag:s4] =	ssyncadd.s32 $0xFFFFFF80  }
0xda: {  	[tilespmem:s7], [sflag:$0x1] =	stream.indirect.gather [hbm4b:s1+s7], $0x80, s3, s7, $0xb8;
	[tilespmem:$0x5100] =	vst v63  }
0xdb: {  	_ =	swait.ge [sflag:s8], $0x4000  }
0xdc: {  	[sflag:s8] =	ssyncset.done $0x0  }
0xdd: {  	[sflag:s8] =	ssyncadd.s32 $0xFFFFC000  }
0xde: {  	[hbm4b:s19+s3] =	stream.linear.scatter [tilespmem:s7], [sflag:$0x2], $0x4000, $0x38;
	[tilespmem:$0x5100] =	vst v63  }
0xdf: {  	_ =	swait.ge [sflag:s4], $0x4000  }
0xe0: {  	[sflag:s4] =	ssyncset.done $0x0  }
0xe1: {  	[sflag:s4] =	ssyncadd.s32 $0xFFFFC000  }
0xe2: {  	[tilespmem:s3], [sflag:$0x2] =	stream.linear.gather [hbm4b:s20+s3], $0x80, $0x38;
	[tilespmem:$0x5100] =	vst v63  }
0xe3: {  	_ =	swait.ge [sflag:s4], $0x80  }
0xe4: {  	[sflag:s4] =	ssyncset.done $0x0  }
0xe5: {  	[sflag:s4] =	ssyncadd.s32 $0xFFFFFF80  }
0xe6: {  	[tilespmem:s7], [sflag:$0x1] =	stream.indirect.gather [hbm4b:s1+s7], $0x80, s3, s7, $0xb8;
	[tilespmem:$0x5100] =	vst v63  }
0xe7: {  	_ =	swait.ge [sflag:s8], $0x4000  }
0xe8: {  	[sflag:s8] =	ssyncset.done $0x0  }
0xe9: {  	[sflag:s8] =	ssyncadd.s32 $0xFFFFC000  }
0xea: {  	[hbm4b:s21+s3] =	stream.linear.scatter [tilespmem:s7], [sflag:$0x2], $0x4000, $0x38;
	[tilespmem:$0x5100] =	vst v63  }
0xeb: {  	_ =	swait.ge [sflag:s4], $0x4000  }
0xec: {  	[sflag:s4] =	ssyncset.done $0x0  }
0xed: {  	[sflag:s4] =	ssyncadd.s32 $0xFFFFC000  }
0xee: {  	[tilespmem:s3], [sflag:$0x2] =	stream.linear.gather [hbm4b:s22+s3], $0x80, $0x38;
	[tilespmem:$0x5100] =	vst v63  }
0xef: {  	_ =	swait.ge [sflag:s4], $0x80  }
0xf0: {  	[sflag:s4] =	ssyncset.done $0x0  }
0xf1: {  	[sflag:s4] =	ssyncadd.s32 $0xFFFFFF80  }
0xf2: {  	[tilespmem:s7], [sflag:$0x1] =	stream.indirect.gather [hbm4b:s1+s7], $0x80, s3, s7, $0xb8;
	[tilespmem:$0x5100] =	vst v63  }
0xf3: {  	_ =	swait.ge [sflag:s8], $0x4000  }
0xf4: {  	[sflag:s8] =	ssyncset.done $0x0  }
0xf5: {  	[sflag:s8] =	ssyncadd.s32 $0xFFFFC000  }
0xf6: {  	[hbm4b:s23+s3] =	stream.linear.scatter [tilespmem:s7], [sflag:$0x2], $0x4000, $0x38;
	[tilespmem:$0x5100] =	vst v63  }
0xf7: {  	_ =	swait.ge [sflag:s4], $0x4000  }
0xf8: {  	[sflag:s4] =	ssyncset.done $0x0  }
0xf9: {  	[sflag:s4] =	ssyncadd.s32 $0xFFFFC000  }
0xfa: {  	[tilespmem:s3], [sflag:$0x2] =	stream.linear.gather [hbm4b:s24+s3], $0x80, $0x38;
	[tilespmem:$0x5100] =	vst v63  }
0xfb: {  	_ =	swait.ge [sflag:s4], $0x80  }
0xfc: {  	[sflag:s4] =	ssyncset.done $0x0  }
0xfd: {  	[sflag:s4] =	ssyncadd.s32 $0xFFFFFF80  }
0xfe: {  	[tilespmem:s7], [sflag:$0x1] =	stream.indirect.gather [hbm4b:s1+s7], $0x80, s3, s7, $0xb8;
	[tilespmem:$0x5100] =	vst v63  }
0xff: {  	_ =	swait.ge [sflag:s8], $0x4000  }
0x100: {  	[sflag:s8] =	ssyncset.done $0x0  }
0x101: {  	[sflag:s8] =	ssyncadd.s32 $0xFFFFC000  }
0x102: {  	[hbm4b:s25+s3] =	stream.linear.scatter [tilespmem:s7], [sflag:$0x2], $0x4000, $0x38;
	[tilespmem:$0x5100] =	vst v63  }
0x103: {  	_ =	swait.ge [sflag:s4], $0x4000  }
0x104: {  	[sflag:s4] =	ssyncset.done $0x0  }
0x105: {  	[sflag:s4] =	ssyncadd.s32 $0xFFFFC000  }
0x106: {  	[tilespmem:s3], [sflag:$0x2] =	stream.linear.gather [hbm4b:s26+s3], $0x80, $0x38;
	[tilespmem:$0x5100] =	vst v63  }
0x107: {  	_ =	swait.ge [sflag:s4], $0x80  }
0x108: {  	[sflag:s4] =	ssyncset.done $0x0  }
0x109: {  	[sflag:s4] =	ssyncadd.s32 $0xFFFFFF80  }
0x10a: {  	[tilespmem:s7], [sflag:$0x1] =	stream.indirect.gather [hbm4b:s1+s7], $0x80, s3, s7, $0xb8;
	[tilespmem:$0x5100] =	vst v63  }
0x10b: {  	_ =	swait.ge [sflag:s8], $0x4000  }
0x10c: {  	[sflag:s8] =	ssyncset.done $0x0  }
0x10d: {  	[sflag:s8] =	ssyncadd.s32 $0xFFFFC000  }
0x10e: {  	[hbm4b:s28+s3] =	stream.linear.scatter [tilespmem:s7], [sflag:$0x2], $0x4000, $0x38;
	[tilespmem:$0x5100] =	vst v63  }
0x10f: {  	_ =	swait.ge [sflag:s4], $0x4000  }
0x110: {  	[sflag:s4] =	ssyncset.done $0x0  }
0x111: {  	s2 =	rddreg [dreg:$0x5];
	[sflag:s4] =	ssyncadd.s32 $0xFFFFC000  }
0x112: {  	[tilespmem:s29], [sflag:$0x2] =	stream.linear.gather [hbm4b:s2+s3], $0x20, $0x38;
	[tilespmem:$0x5100] =	vst v63  }
0x113: {  	_ =	swait.ge [sflag:s4], $0x20  }
0x114: {  	[sflag:s4] =	ssyncset.done $0x0  }
0x115: {  	[sflag:s4] =	ssyncadd.s32 $0xFFFFFFE0  }
0x116: {  	v0 =	vld [tilespmem:$0x4080]  }
0x117: {  	v1 =	vld [tilespmem:$0x4090];
	_ =	sdelay $0x3  }
0x118: {  	v0 =	vadd.s32 $0x1F40, v0  }
0x119: {  	v63 =	vadd.s32 $0x1F40, v1;
	[tilespmem:$0x4080] =	vst v0  }
0x11a: {  	p0 =	sne.s32 s0, $0x1;
	[tilespmem:$0x4090] =	vst v63  }
0x11b: {  	[tilespmem:s31], [sflag:$0x1] =	stream.indirect.gather [hbm4b:s6+s30], $0x80, s29, s30, $0xb8;
	[tilespmem:$0x5100] =	vst v63  }
.Ltmp1:
0x11c: {  	_ =	swait.ge [sflag:s8], $0x1000;
	(pc) =	sbr.rel @p0 .LBB2_1-.Ltmp1, $4  }
0x11d: {  	[sflag:s8] =	ssyncset.done $0x0  }
0x11e: {  	s2 =	rddreg [dreg:$0x6];
	[sflag:s8] =	ssyncadd.s32 $0xFFFFF000  }
0x11f: {  	[hbm4b:s2+s3] =	stream.linear.scatter [tilespmem:s31], [sflag:$0x2], $0x1000, $0x38;
	[tilespmem:$0x5100] =	vst v63  }
0x120: {  	s0 =	sadd.s32 $0xFFFFFFFF, s0;
	_ =	swait.ge [sflag:s4], $0x1000  }
.LBB2_2:
0x121: {  	[sflag:s4] =	ssyncset.done $0x0  }
0x122: {  	[sflag:s4] =	ssyncadd.s32 $0xFFFFF000  }
0x123: {  	_ =	sfence.sel $0x180000  }
0x124: {  	[bflag:$0x0] =	sbarrier.arrive $0xFFFF  }
0x125: {  	_ =	strace $0x9000004A  }
0x126: {  	s0 =	stileid.u32;
	[bflag:$0x2] =	sbarrier.arrive $0xFFFF  }
0x127: {  	p0 =	sne.s32 s0, $0x0;
	s0 =	rddreg [dreg:$0x4]  }
0x128: {  	s0 =	sadd.s32 @!p0 $0x100000, s0  }
0x129: {  	[sflag:s0] =	ssyncadd.tile.s32 @!p0 $0x1;
	_ =	shalt  }
.Lfunc_end2:
_tile_overlayer_lowered:
.L_overlay_start_2:
0x12a: {  	(tag) =	ssettag $0x2  }
0x12b: {  	s0 =	rddreg [dreg:$0x0];
	s2 =	stileid.u32  }
0x12c: {  	s1 =	rddreg [dreg:$0x1];
	p0 =	sne.s32 s2, $0x0  }
0x12d: {  	s3 =	rddreg [dreg:$0x2];
	[bflag:$0x3] =	sbarrier.arrive $0xFFFF;
	s2 =	simm.s32 @!p0 $0x1C02  }
0x12e: {  	[timem:s3], [sflag:s2] =	dma.local @!p0 [hbm:s0], s1  }
0x12f: {  	s0 =	simm.s32 @!p0 $0x2  }
0x130: {  	_ =	swait.ge @!p0 [sflag:s0], s1  }
0x131: {  	s1 =	ssub.s32 @!p0 $0x0, s1;
	[sflag:s0] =	ssyncset.done @!p0 $0x0  }
0x132: {  	[sflag:s0] =	ssyncadd.s32 @!p0 s1  }
0x133: {  	[bflag:$0x3] =	sbarrier.arrive $0xFFFF  }
0x134: {  	_ =	shalt  }

// kernel: kernel.7.cloned.1.call-start
scs
__scs_entry_jumppad:
0x0: {  	(pc) =	sbr.rel $0x88, $3  }
0x1: {  	(tag) =	ssettag $0x0;
	lr =	simm.s32 $0x1  }
0x2: {  	[smem:$0x3F8C] =	sst lr;
	_ =	strace $0xD0000000  }
0x3: {  	_ = 	snop  }
0x4: {  	_ = 	snop  }
0x5: {  	_ = 	snop  }
0x6: {  	_ = 	snop  }
0x7: {  	_ = 	snop  }
__scs_overlays_trampoline_lowered:
0x8: {  	[smem:$0x3F9B] =	sst s0  }
0x9: {  	[smem:$0x3F9C] =	sst s1  }
0xa: {  	[smem:$0x3F9D] =	sst s2  }
0xb: {  	[smem:$0x3F9E] =	sst s3  }
0xc: {  	[smem:$0x3F9F] =	sst s4  }
0xd: {  	[smem:$0x3FA0] =	sst s5  }
0xe: {  	[smem:$0x3FA1] =	sst s6  }
0xf: {  	[smem:$0x3FA2] =	sst s7  }
0x10: {  	[smem:$0x3FA3] =	sst s8  }
0x11: {  	[smem:$0x3FA4] =	sst s9;
	s0 =	simm.s32 @!p0 $0x0  }
0x12: {  	s1 =	sld [smem:$0x3F8A];
	s0 =	simm.s32 @p0 $0x1  }
0x13: {  	[smem:$0x3FA5] =	sst s0;
	s0 =	simm.s32 @!p1 $0x0  }
0x14: {  	s2 =	sld [smem:$0x3F89];
	s0 =	simm.s32 @p1 $0x1  }
0x15: {  	[smem:$0x3FA6] =	sst s0;
	s0 =	simm.s32 @!p2 $0x0  }
0x16: {  	s3 =	sld [smem:$0x3FDB];
	s0 =	simm.s32 @p2 $0x1  }
0x17: {  	s4 =	simm.s32 $0x1BF5;
	[smem:$0x3FA8] =	sst s0  }
0x18: {  	s0 =	sld [smem:$0x3F8B];
	_ =	swait.ge [sflag:s4], $0x0  }
0x19: {  	s7 =	sld [smem:$0x3F8C]  }
0x1a: {  	s8 =	sadd.s32 $0xFFFFE003, lr  }
0x1b: {  	s9 =	sadd.s32 $0xFFFFFEF7, lr;
	s5 =	simm.s32 $0xFFFFFFFF;
	p2 =	slt.u32 s8, $0xFFFFF086  }
0x1c: {  	p1 =	slt.u32 s9, $0xF7A;
	s5 =	simm.s32 @!p2 $0x0  }
0x1d: {  	s5 =	simm.s32 @p1 $0x1;
	p0 =	seq.s32 s7, s2  }
0x1e: {  	s7 =	smul.u32 @!p0 $0xF7A, s2;
	p2 =	seq.s32 @!p0 s5, $0x0  }
0x1f: {  	s9 =	smul.u32 $0xF7A, s1;
	s8 =	simm.s32 @!p0 $0x1BF5;
	p2 =	por !p2, p0  }
0x20: {  	[sflag:s8] =	ssyncset.s32 @!p0 $0xFFFFF086;
	s6 =	sadd.s32 @!p0 s3, s7;
	s7 =	simm.s32 @!p0 $0x108  }
0x21: {  	s3 =	sadd.s32 s3, s9;
	s6 =	sadd.s32 @!p0 $0x88, s6;
	s7 =	simm.s32 @p2 $0x1082  }
0x22: {  	[simem:s7], [sflag:s8] =	dma.local @!p0 [hbm:s6], $0xF7A  }
0x23: {  	s9 =	sor.u32 $0xD0000000, s2;
	s6 =	simm.s32 $0x108;
	_ =	swait.ge @!p0 [sflag:s8], $0x0  }
0x24: {  	s3 =	sadd.s32 $0x88, s3;
	s6 =	simm.s32 @!p1 $0x1082;
	[sflag:s4] =	ssyncset.s32 $0xFFFFF086  }
0x25: {  	[simem:s6], [sflag:s4] =	dma.local [hbm:s3], $0xF7A  }
0x26: {  	[smem:$0x3F8C] =	sst s1;
	(tag) =	ssettag s2;
	_ =	strace s9  }
0x27: {  	s1 =	sld [smem:$0x3F9C]  }
0x28: {  	s2 =	sld [smem:$0x3F9D]  }
0x29: {  	s4 =	sld [smem:$0x3F9F]  }
0x2a: {  	p0 =	seq.s32 s5, $0x0;
	s5 =	sld [smem:$0x3FA0]  }
0x2b: {  	s6 =	sld [smem:$0x3FA1]  }
0x2c: {  	s7 =	sld [smem:$0x3FA2]  }
0x2d: {  	s3 =	simm.s32 $0x108;
	s8 =	sld [smem:$0x3FA3]  }
0x2e: {  	s3 =	simm.s32 @!p0 $0x1082;
	s9 =	sld [smem:$0x3FA4]  }
0x2f: {  	lr =	sadd.s32 s0, s3;
	s0 =	sld [smem:$0x3F9B]  }
0x30: {  	s3 =	sld [smem:$0x3F9E]  }
0x31: {  	[smem:$0x3FA7] =	sst s10  }
0x32: {  	s10 =	sld [smem:$0x3FA5];
	_ =	sdelay $0x3  }
0x33: {  	p0 =	seq.s32 s10, $0x1;
	s10 =	sld [smem:$0x3FA7];
	_ =	sdelay $0x3  }
0x34: {  	[smem:$0x3FA7] =	sst s10  }
0x35: {  	s10 =	sld [smem:$0x3FA6];
	_ =	sdelay $0x3  }
0x36: {  	p1 =	seq.s32 s10, $0x1;
	s10 =	sld [smem:$0x3FA7];
	_ =	sdelay $0x3  }
0x37: {  	[smem:$0x3FA7] =	sst s10  }
0x38: {  	s10 =	sld [smem:$0x3FA8]  }
0x39: {  	_ = 	snop;
	(pc) =	sbr.ind lr, $3  }
0x3a: {  	_ = 	snop  }
0x3b: {  	_ = 	snop  }
0x3c: {  	p2 =	seq.s32 s10, $0x1;
	s10 =	sld [smem:$0x3FA7]  }
0x3d: {  	_ =	shalt  }
0x3e: {  	_ =	shalt  }
0x3f: {  	_ =	shalt  }
0x40: {  	_ =	shalt  }
0x41: {  	_ =	shalt  }
0x42: {  	_ =	shalt  }
0x43: {  	_ =	shalt  }
0x44: {  	_ =	shalt  }
0x45: {  	_ =	shalt  }
0x46: {  	_ =	shalt  }
0x47: {  	_ =	shalt  }
0x48: {  	_ =	shalt  }
0x49: {  	_ =	shalt  }
0x4a: {  	_ =	shalt  }
0x4b: {  	_ =	shalt  }
0x4c: {  	_ =	shalt  }
0x4d: {  	_ =	shalt  }
0x4e: {  	_ =	shalt  }
0x4f: {  	_ =	shalt  }
0x50: {  	_ =	shalt  }
0x51: {  	_ =	shalt  }
0x52: {  	_ =	shalt  }
0x53: {  	_ =	shalt  }
0x54: {  	_ =	shalt  }
0x55: {  	_ =	shalt  }
0x56: {  	_ =	shalt  }
0x57: {  	_ =	shalt  }
0x58: {  	_ =	shalt  }
0x59: {  	_ =	shalt  }
0x5a: {  	_ =	shalt  }
0x5b: {  	_ =	shalt  }
0x5c: {  	_ =	shalt  }
0x5d: {  	_ =	shalt  }
0x5e: {  	_ =	shalt  }
0x5f: {  	_ =	shalt  }
0x60: {  	_ =	shalt  }
0x61: {  	_ =	shalt  }
0x62: {  	_ =	shalt  }
0x63: {  	_ =	shalt  }
0x64: {  	_ =	shalt  }
0x65: {  	_ =	shalt  }
0x66: {  	_ =	shalt  }
0x67: {  	_ =	shalt  }
0x68: {  	_ =	shalt  }
0x69: {  	_ =	shalt  }
0x6a: {  	_ =	shalt  }
0x6b: {  	_ =	shalt  }
0x6c: {  	_ =	shalt  }
0x6d: {  	_ =	shalt  }
0x6e: {  	_ =	shalt  }
0x6f: {  	_ =	shalt  }
0x70: {  	_ =	shalt  }
0x71: {  	_ =	shalt  }
0x72: {  	_ =	shalt  }
0x73: {  	_ =	shalt  }
0x74: {  	_ =	shalt  }
0x75: {  	_ =	shalt  }
0x76: {  	_ =	shalt  }
0x77: {  	_ =	shalt  }
0x78: {  	_ =	shalt  }
0x79: {  	_ =	shalt  }
0x7a: {  	_ =	shalt  }
0x7b: {  	_ =	shalt  }
0x7c: {  	_ =	shalt  }
0x7d: {  	_ =	shalt  }
0x7e: {  	_ =	shalt  }
0x7f: {  	_ =	shalt  }
0x80: {  	_ =	shalt  }
0x81: {  	_ =	shalt  }
0x82: {  	_ =	shalt  }
0x83: {  	_ =	shalt  }
0x84: {  	_ =	shalt  }
0x85: {  	_ =	shalt  }
0x86: {  	_ =	shalt  }
0x87: {  	_ =	shalt  }
.Lfunc_end0:
.L_simem_size_0:
called_computation_lowered:
.L_overlay_start_0:
0x88: {  	s2 =	sld [smem:$0x3FD9]  }
0x89: {  	s3 =	sld [smem:$0x3FFE];
	_ =	sdelay $0x1  }
0x8a: {  	s1 =	srdreg.scid  }
0x8b: {  	s0 =	sand.u32 $0x1, s1  }
0x8c: {  	s17 =	sshll.u32 s0, $0xA;
	s2 =	sadd.s32 s3, s2  }
0x8d: {  	s2 =	sadd.s32 s2, s17  }
0x8e: {  	[smem:$0x3FB3] =	sst s2  }
0x8f: {  	_ = 	snop  }
0x90: {  	s2 =	sld [smem:$0x3FC9]  }
0x91: {  	s18 =	sld [smem:$0x3FD0];
	(tm) =	ssettm $0x1  }
0x92: {  	s4 =	sld [smem:$0x3FFB];
	_ =	sdelay $0x3  }
0x93: {  	_ =	strace s4  }
0x94: {  	s4 =	sld [smem:$0x3FFC];
	_ =	sdelay $0x3  }
0x95: {  	_ =	strace s4  }
0x96: {  	s4 =	sld [smem:$0x3FFD];
	_ =	sdelay $0x3  }
0x97: {  	_ =	strace s4  }
0x98: {  	_ =	strace $0x8FFFFFFF  }
0x99: {  	s19 =	sld [smem:$0x3FDB];
	_ =	sdelay $0x1  }
0x9a: {  	s5 =	simm.s32 $_scs_section_size  }
0x9b: {  	s6 =	simm.s32 $_size__tile_overlayer_lowered;
	s7 =	simm.s32 $_tile_overlayer_lowered  }
0x9c: {  	s22 =	simm.s32 $0x1BFF;
	s21 =	sshll.u32 s7, $0x1;
	s4 =	sadd.s32 s5, s19  }
0x9d: {  	s8 =	simm.s32 $0x0;
	s20 =	sshll.u32 s6, $0x1;
	s6 =	sadd.s32 s21, s4  }
0x9e: {  	[timem:s8], [sflag:s22] =	dma.local [hbm:s6], s20  }
0x9f: {  	_ =	swait.ge [sflag:s22], s20  }
0xa0: {  	s5 =	ssub.s32 $0x0, s20;
	[sflag:s22] =	ssyncset.done $0x0  }
0xa1: {  	[sflag:s22] =	ssyncadd.s32 s5;
	_ =	sdelay $0x1  }
0xa2: {  	s23 =	simm.s32 $0x1B8B  }
0xa3: {  	_ =	swait.ge [sflag:s23], $0x1  }
0xa4: {  	[sflag:s23] =	ssyncset.done $0x0  }
0xa5: {  	s25 =	simm.s32 $0x1B8E;
	s24 =	sld [smem:$0x3FFE];
	[sflag:s23] =	ssyncadd.s32 $0xFFFFFFFF  }
0xa6: {  	s26 =	simm.s32 $execute0_lowered;
	[smem:$0x3FD2] =	sst s25  }
0xa7: {  	s6 =	sshll.u32 s26, $0x1;
	_ =	strace $0x80000046;
	[dreg:$0x1] =	wrdreg $0xFFFFFFFF  }
0xa8: {  	s28 =	simm.s32 $_size_execute0_lowered;
	s4 =	sadd.s32 s4, s6;
	[dreg:$0x0] =	wrdreg $0x0  }
0xa9: {  	s6 =	sshll.u32 s28, $0x1;
	[dreg:$0x2] =	wrdreg s4  }
0xaa: {  	[dreg:$0x3] =	wrdreg s6  }
0xab: {  	[dreg:$0x4] =	wrdreg $0xC0  }
0xac: {  	_ =	task [dreg:s8], $0x5FFFF  }
0xad: {  	[dreg:$0x1] =	wrdreg $0xFFFFFFFF  }
0xae: {  	[dreg:$0x0] =	wrdreg $0x60  }
0xaf: {  	[dreg:$0x2] =	wrdreg s24  }
0xb0: {  	[dreg:$0x3] =	wrdreg s2  }
0xb1: {  	[dreg:$0x4] =	wrdreg s18  }
0xb2: {  	[dreg:$0x5] =	wrdreg $0x82000  }
0xb3: {  	[dreg:$0x6] =	wrdreg $0x1C2000  }
0xb4: {  	[dreg:$0x7] =	wrdreg $0x9  }
0xb5: {  	_ =	task.clear_ibuf [dreg:s8], $0x8FFFF;
	_ =	strace $0x90000046  }
0xb6: {  	s29 =	simm.s32 $0x9;
	_ =	strace $0x80000048  }
0xb7: {  	_ =	swait.ge [sflag:s29], $0x1  }
0xb8: {  	[sflag:s29] =	ssyncadd.s32 $0xFFFFFFFF  }
0xb9: {  	_ =	strace $0x90000048  }
0xba: {  	_ =	sfence  }
0xbb: {  	s30 =	sld [smem:$0x0];
	_ =	sdelay $0x2  }
0xbc: {  	s31 =	sshll.u32 s1, $0xD;
	s1 =	sshrl.u32 s1, $0x2  }
0xbd: {  	s3 =	sand.u32 $0x4000, s31;
	s1 =	sadd.s32 s1, s30  }
0xbe: {  	s0 =	sor.u32 s3, s0;
	s1 =	sshll.u32 s1, $0x11  }
0xbf: {  	s0 =	sor.u32 s1, s0  }
0xc0: {  	s0 =	sadd.s32 $0x8F2B, s0  }
0xc1: {  	[sflag:s0] =	ssyncadd.remote.s32 $0x1  }
0xc2: {  	_ =	sfence.sel $0xFFFF  }
0xc3: {  	[dreg:$0x0] =	wrdreg $0xFFFFFFFF;
	(pc) =	sbr.abs _section_cstart, $3  }
0xc4: {  	[dreg:$0x1] =	wrdreg $0xFFFFFFFF  }
0xc5: {  	_ =	task.clear_ibuf [dreg:s8], $0x2FFFF;
	_ =	strace $0x9FFFFFFF  }
0xc6: {  	(tm) =	ssettm $0x7FFFFFFF  }
0xc7: {  	_ =	shalt  }
tec
execute0_lowered:
.L_overlay_start_1:
0x0: {  	(tag) =	ssettag $0x1  }
0x1: {  	s0 =	rddreg [dreg:$0x0]  }
0x2: {  	s1 =	rddreg [dreg:$0x1]  }
0x3: {  	s3 =	rddreg [dreg:$0x2]  }
0x4: {  	s2 =	rddreg [dreg:$0x3]  }
0x5: {  	s4 =	rddreg [dreg:$0x4];
	s5 =	simm.s32 $0x0  }
0x6: {  	s6 =	srdreg.scid;
	s20 =	stileid.u32;
	s28 =	simm.s32 $0x80  }
0x7: {  	s29 =	simm.s32 $0x100;
	s30 =	simm.s32 $0x1;
	s31 =	simm.s32 $0x2  }
0x8: {  	[smem:$0x7FF] =	sst s5;
	s9 =	sand.u32 $0x1, s6;
	s7 =	smul.u32 $0x500, s20  }
0x9: {  	s14 =	sadd.s32 $0xDA00, s0;
	s15 =	sadd.s32 $0x3C00, s0;
	s10 =	smul.u32 $0x50000, s20  }
0xa: {  	s6 =	sadd.s32 $0x3A00, s0;
	s11 =	smul.u32 $0x280, s20;
	_ =	strace $0x80000047  }
0xb: {  	s8 =	smul.u32 $0x5000, s9;
	s16 =	ssub.s32 $0x2, s9;
	s18 =	sshll.u32 s9, $0x4  }
0xc: {  	s13 =	smul.u32 $0x2800, s9;
	s17 =	sshrl.u32 s16, $0x1;
	s19 =	sshrl.u32 s10, $0x2  }
0xd: {  	s25 =	sor.u32 s20, s18;
	s22 =	sadd.s32 $0x80, s11;
	s12 =	sadd.s32 $0x100, s11  }
0xe: {  	s18 =	sadd.s32 $0x200, s11;
	s7 =	sadd.s32 s7, s8;
	s21 =	ssub.s32 s16, s17  }
0xf: {  	s23 =	sshll.u32 s22, $0x7;
	s16 =	sshll.u32 s12, $0x7;
	s17 =	sadd.s32 $0x180, s11  }
0x10: {  	s11 =	sadd.s32 s11, s13;
	s10 =	sadd.s32 s13, s22;
	s24 =	sadd.s32 s13, s12  }
0x11: {  	s22 =	sshll.u32 s9, $0x8;
	p0 =	sgt.u32 s25, $0x3;
	s25 =	simm.s32 $0x3  }
0x12: {  	s0 =	sadd.s32 s7, s0;
	s7 =	sadd.s32 s19, s2;
	s8 =	sadd.s32 s23, s2  }
0x13: {  	s23 =	sshll.u32 s20, $0x4;
	s11 =	sshll.u32 s11, $0x4;
	s10 =	sshll.u32 s10, $0x4  }
0x14: {  	s26 =	sadd.s32 s13, s17;
	s13 =	sadd.s32 s13, s18;
	s9 =	sadd.s32 s22, s14  }
0x15: {  	s16 =	sadd.s32 s16, s2;
	s18 =	sshll.u32 s18, $0x7;
	s21 =	smax.u32 s21, $0x1  }
0x16: {  	s19 =	sor.u32 $0x9C00, s23;
	s11 =	sadd.s32 s3, s11;
	s10 =	sadd.s32 s3, s10  }
0x17: {  	s12 =	sshll.u32 s26, $0x4;
	s13 =	sshll.u32 s13, $0x4;
	[dreg:$0x6] =	wrdreg s11  }
0x18: {  	s26 =	sshll.u32 s17, $0x7;
	s18 =	sadd.s32 s18, s2;
	[dreg:$0x7] =	wrdreg s10  }
0x19: {  	s11 =	sshll.u32 s24, $0x4;
	s12 =	sadd.s32 s3, s12;
	s13 =	sadd.s32 s3, s13  }
0x1a: {  	s10 =	sadd.s32 s14, s19;
	s19 =	sadd.s32 s15, s19;
	s24 =	smul.u32 $0xA000, s20  }
.Ltmp0:
0x1b: {  	s17 =	sadd.s32 s26, s2;
	s20 =	sadd.s32 $0x17800, s0;
	(pc) =	sbr.rel .LBB2_1-.Ltmp0, $4  }
0x1c: {  	s26 =	simm.s32 $0x4200;
	s0 =	simm.s32 $0x180;
	[dreg:$0x8] =	wrdreg s10  }
0x1d: {  	s11 =	sadd.s32 s3, s11;
	[dreg:$0x9] =	wrdreg s19;
	s3 =	sadd.s32 s22, s15  }
0x1e: {  	s22 =	sadd.s32 s23, s9;
	s14 =	sshrl.u32 s24, $0x2;
	s23 =	sadd.s32 s23, s3  }
0x1f: {  	v0 =	vimm.f32 $0.0e+00;
	s24 =	simm.s32 $0x200;
	s19 =	sadd.s32 s14, s4;
	s14 =	simm.s32 $0x0  }
.LBB2_9:
0x20: {  	s3 =	stileid.u32  }
0x21: {  	[bflag:$0x0] =	sbarrier.arrive $0xFFFF;
	s3 =	sshll.u32 s3, $0x6  }
0x22: {  	s9 =	sshrl.u32 s7, $0x3;
	s10 =	rddreg [dreg:$0x6];
	s3 =	sor.u32 $0x1C03, s3  }
0x23: {  	[hbm:s10], [sflag:s3] =	dma.local [spmem:s9], $0x800  }
0x24: {  	_ =	swait.ge [sflag:s25], $0x800  }
0x25: {  	[sflag:s25] =	ssyncset.done $0x0  }
0x26: {  	s10 =	sshrl.u32 s8, $0x3;
	s15 =	rddreg [dreg:$0x7];
	[sflag:s25] =	ssyncadd.s32 $0xFFFFF800  }
0x27: {  	[hbm:s15], [sflag:s3] =	dma.local [spmem:s10], $0x800  }
0x28: {  	_ =	swait.ge [sflag:s25], $0x800  }
0x29: {  	[sflag:s25] =	ssyncset.done $0x0  }
0x2a: {  	s10 =	sshrl.u32 s16, $0x3;
	[sflag:s25] =	ssyncadd.s32 $0xFFFFF800  }
0x2b: {  	[hbm:s11], [sflag:s3] =	dma.local [spmem:s10], $0x800  }
0x2c: {  	_ =	swait.ge [sflag:s25], $0x800  }
0x2d: {  	[sflag:s25] =	ssyncset.done $0x0  }
0x2e: {  	s15 =	sshrl.u32 s17, $0x3;
	[sflag:s25] =	ssyncadd.s32 $0xFFFFF800  }
0x2f: {  	[hbm:s12], [sflag:s3] =	dma.local [spmem:s15], $0x800  }
0x30: {  	_ =	swait.ge [sflag:s25], $0x800  }
0x31: {  	[sflag:s25] =	ssyncset.done $0x0  }
0x32: {  	s10 =	sshrl.u32 s18, $0x3;
	[sflag:s25] =	ssyncadd.s32 $0xFFFFF800  }
0x33: {  	[hbm:s13], [sflag:s3] =	dma.local [spmem:s10], $0x800  }
0x34: {  	s14 =	sadd.s32 $0x1, s14;
	_ =	swait.ge [sflag:s25], $0x800  }
0x35: {  	p1 =	sne.s32 s14, s21;
	[sflag:s25] =	ssyncset.done $0x0  }
.Ltmp1:
0x36: {  	s15 =	sshrl.u32 s19, $0x3;
	[sflag:s25] =	ssyncadd.s32 $0xFFFFF800;
	(pc) =	sbr.rel @!p1 .LBB2_10-.Ltmp1, $4  }
0x37: {  	[hbm:s20], [sflag:s3] =	dma.local [spmem:s15], $0x500  }
0x38: {  	_ =	swait.ge [sflag:s25], $0x500  }
0x39: {  	[sflag:s25] =	ssyncset.done $0x0  }
0x3a: {  	[sflag:s25] =	ssyncadd.s32 $0xFFFFFB00  }
.LBB2_1:
0x3b: {  	s3 =	simm.s32 $0x0;
	s15 =	simm.s32 $0x0  }
.LBB2_2:
0x3c: {  	p1 =	sne.s32 s15, $0xFFC0  }
.Ltmp2:
0x3d: {  	_ = 	snop;
	(pc) =	sbr.rel @p1 .LBB2_2-.Ltmp2, $4  }
0x3e: {  	s9 =	sand.u32 $0xFE00, s15  }
0x3f: {  	s10 =	sand.u32 $0x70, s3;
	s9 =	sshrl.u32 s9, $0x2  }
0x40: {  	s9 =	sor.u32 s10, s9  }
0x41: {  	s3 =	sadd.s32 $0x10, s3;
	s15 =	sadd.s32 $0x40, s15;
	[tilespmem:s9+$0x200] =	vst v0  }
0x42: {  	s15 =	simm.s32 $0x0  }
0x43: {  	s3 =	sand.u32 $0xFE00, s15  }
0x44: {  	s9 =	sand.u32 $0x70, s15;
	s10 =	sshrl.u32 s3, $0x2  }
0x45: {  	s3 =	simm.s32 $0x40;
	s9 =	sor.u32 s9, s10  }
.LBB2_4:
0x46: {  	p1 =	sne.s32 s3, $0xFFC0  }
0x47: {  	[tilespmem:s9+$0x4200] =	vst v0;
	s15 =	sadd.s32 $0x10, s15;
	s9 =	smov.u32 s3;
	s3 =	sadd.s32 $0x40, s3  }
.Ltmp3:
0x48: {  	(pc) =	sbr.rel @p1 .LBB2_4-.Ltmp3, $4  }
0x49: {  	_ = 	snop  }
0x4a: {  	s9 =	sand.u32 $0xFE00, s9  }
0x4b: {  	s10 =	sand.u32 $0x70, s15;
	s9 =	sshrl.u32 s9, $0x2  }
0x4c: {  	s9 =	sor.u32 s10, s9  }
0x4d: {  	[tilespmem:s9+$0x4200] =	vst v0  }
0x4e: {  	[spmem:s7] =	stream.linear.scatter [tilespmem:s24], [sflag:$0x3], $0x4000, $0x38;
	[tilespmem:$0x1EA00] =	vst v63  }
0x4f: {  	_ =	swait.ge [sflag:s25], $0x4000  }
0x50: {  	[sflag:s25] =	ssyncset.done $0x0  }
0x51: {  	[sflag:s25] =	ssyncadd.s32 $0xFFFFC000  }
0x52: {  	[spmem:s8] =	stream.linear.scatter [tilespmem:s24], [sflag:$0x3], $0x4000, $0x38;
	[tilespmem:$0x1EA00] =	vst v63  }
0x53: {  	_ =	swait.ge [sflag:s25], $0x4000  }
0x54: {  	[sflag:s25] =	ssyncset.done $0x0  }
0x55: {  	[sflag:s25] =	ssyncadd.s32 $0xFFFFC000  }
0x56: {  	[spmem:s16] =	stream.linear.scatter [tilespmem:s24], [sflag:$0x3], $0x4000, $0x38;
	[tilespmem:$0x1EA00] =	vst v63  }
0x57: {  	_ =	swait.ge [sflag:s25], $0x4000  }
0x58: {  	[sflag:s25] =	ssyncset.done $0x0  }
0x59: {  	[sflag:s25] =	ssyncadd.s32 $0xFFFFC000  }
0x5a: {  	[spmem:s17] =	stream.linear.scatter [tilespmem:s24], [sflag:$0x3], $0x4000, $0x38;
	[tilespmem:$0x1EA00] =	vst v63  }
0x5b: {  	_ =	swait.ge [sflag:s25], $0x4000  }
0x5c: {  	[sflag:s25] =	ssyncset.done $0x0  }
0x5d: {  	[sflag:s25] =	ssyncadd.s32 $0xFFFFC000  }
0x5e: {  	[spmem:s18] =	stream.linear.scatter [tilespmem:s24], [sflag:$0x3], $0x4000, $0x38;
	[tilespmem:$0x1EA00] =	vst v63  }
0x5f: {  	_ =	swait.ge [sflag:s25], $0x4000  }
0x60: {  	[sflag:s25] =	ssyncset.done $0x0  }
0x61: {  	[sflag:s25] =	ssyncadd.s32 $0xFFFFC000  }
0x62: {  	[spmem:s19] =	stream.linear.scatter [tilespmem:s26], [sflag:$0x3], $0x2800, $0x38;
	[tilespmem:$0x1EA00] =	vst v63  }
0x63: {  	_ =	swait.ge [sflag:s25], $0x2800  }
0x64: {  	[sflag:s25] =	ssyncset.done $0x0  }
0x65: {  	[sflag:s25] =	ssyncadd.s32 $0xFFFFD800  }
0x66: {  	s3 =	sadd.s32 $0x0, s22;
	[bflag:$0x0] =	sbarrier.arrive $0xFFFF  }
0x67: {  	[tilespmem:s5], [sflag:$0x3] =	stream.linear.gather [hbm4b:s3+s5], $0x80, $0x38;
	[tilespmem:$0x1EA00] =	vst v63  }
0x68: {  	_ =	swait.ge [sflag:s25], $0x80  }
0x69: {  	[sflag:s25] =	ssyncset.done $0x0  }
0x6a: {  	s15 =	sadd.s32 $0x0, s23;
	[sflag:s25] =	ssyncadd.s32 $0xFFFFFF80  }
0x6b: {  	[tilespmem:s28], [sflag:$0x3] =	stream.linear.gather [hbm4b:s15+s5], $0x80, $0x38;
	[tilespmem:$0x1EA00] =	vst v63  }
0x6c: {  	_ =	swait.ge [sflag:s25], $0x80  }
0x6d: {  	[sflag:s25] =	ssyncset.done $0x0  }
0x6e: {  	[sflag:s25] =	ssyncadd.s32 $0xFFFFFF80  }
0x6f: {  	v1 =	vld [tilespmem:$0xF0];
	_ =	sdelay $0x1  }
0x70: {  	v2 =	vld [tilespmem:$0xE0]  }
0x71: {  	v3 =	vld [tilespmem:$0xA0];
	_ =	sdelay $0x1  }
0x72: {  	v4 =	vand.u32 $0x7, v1  }
0x73: {  	v5 =	vld [tilespmem:$0x80];
	v1 =	vshrl.u32 v1, $0x3;
	[tilespmem:$0x170] =	vst v4  }
0x74: {  	v60 =	vld [tilespmem:$0xC0];
	v6 =	vand.u32 $0x7, v2;
	[tilespmem:$0x1F0] =	vst v1  }
0x75: {  	v7 =	vand.u32 $0x7, v3;
	[tilespmem:$0x160] =	vst v6  }
0x76: {  	v2 =	vshrl.u32 v2, $0x3;
	v1 =	vld [tilespmem:$0x90];
	[tilespmem:$0x120] =	vst v7  }
0x77: {  	v3 =	vshrl.u32 v3, $0x3;
	[tilespmem:$0x1E0] =	vst v2  }
0x78: {  	v61 =	vshrl.u32 v5, $0x3;
	v2 =	vld [tilespmem:$0xB0];
	[tilespmem:$0x1A0] =	vst v3  }
0x79: {  	v3 =	vshrl.u32 v60, $0x3;
	[tilespmem:$0x180] =	vst v61  }
0x7a: {  	v62 =	vld [tilespmem:$0xD0];
	[tilespmem:$0x1C0] =	vst v3;
	v3 =	vand.u32 $0x7, v60  }
0x7b: {  	[tilespmem:$0x140] =	vst v3;
	v63 =	vshrl.u32 v1, $0x3  }
0x7c: {  	v1 =	vand.u32 $0x7, v1;
	[tilespmem:$0x190] =	vst v63  }
0x7d: {  	v3 =	vand.u32 $0x7, v2;
	[tilespmem:$0x110] =	vst v1  }
0x7e: {  	v2 =	vshrl.u32 v2, $0x3;
	[tilespmem:$0x130] =	vst v3  }
0x7f: {  	v1 =	vshrl.u32 v62, $0x3;
	[tilespmem:$0x1B0] =	vst v2  }
0x80: {  	v3 =	vand.u32 $0x7, v5;
	[tilespmem:$0x1D0] =	vst v1  }
0x81: {  	v1 =	vand.u32 $0x7, v62;
	[tilespmem:$0x100] =	vst v3  }
0x82: {  	s15 =	simm.s32 $0x200;
	[tilespmem:$0x150] =	vst v1  }
0x83: {  	[tilespmem:s24], [sflag:$0x1] =	stream.indirect.gather [hbm4b:s1+s28], $0x80, s5, s28, $0xb8;
	[tilespmem:$0x1EA00] =	vst v63  }
.LBB2_6:
0x84: {  	p1 =	sne.s32 s15, $0x9A00;
	s3 =	smov.u32 s15;
	s15 =	sadd.s32 $0x200, s15  }
0x85: {  	[tilespmem:s26], [sflag:$0x2] =	stream.indirect.gather [hbm4b:s6+s28], $0x80, s29, s28, $0xb8;
	[tilespmem:$0x1EA00] =	vst v63  }
0x86: {  	_ =	swait.ge [sflag:s30], $0x4000  }
0x87: {  	[sflag:s30] =	ssyncset.done $0x0  }
0x88: {  	[sflag:s30] =	ssyncadd.s32 $0xFFFFC000  }
0x89: {  	[spmem:s2] =	stream.indirect.scatter.add.f32 [tilespmem:s24], [sflag:$0x3], $0x80, s28, s28, $0xb8;
	[tilespmem:$0x1EA00] =	vst v63  }
0x8a: {  	_ =	swait.ge [sflag:s25], $0x4000  }
0x8b: {  	[sflag:s25] =	ssyncset.done $0x0  }
0x8c: {  	[sflag:s25] =	ssyncadd.s32 $0xFFFFC000  }
0x8d: {  	_ =	swait.ge [sflag:s31], $0x4000  }
0x8e: {  	[sflag:s31] =	ssyncset.done $0x0  }
0x8f: {  	[sflag:s31] =	ssyncadd.s32 $0xFFFFC000  }
0x90: {  	[spmem:s4] =	stream.indirect.scatter.add.f32 [tilespmem:s26], [sflag:$0x3], $0x80, s0, s28, $0xb8;
	[tilespmem:$0x1EA00] =	vst v63  }
0x91: {  	_ =	swait.ge [sflag:s25], $0x4000  }
0x92: {  	[sflag:s25] =	ssyncset.done $0x0  }
0x93: {  	s9 =	sadd.s32 s3, s22;
	[sflag:s25] =	ssyncadd.s32 $0xFFFFC000  }
0x94: {  	[tilespmem:s5], [sflag:$0x3] =	stream.linear.gather [hbm4b:s9+s5], $0x80, $0x38;
	[tilespmem:$0x1EA00] =	vst v63  }
0x95: {  	_ =	swait.ge [sflag:s25], $0x80  }
0x96: {  	[sflag:s25] =	ssyncset.done $0x0  }
0x97: {  	s3 =	sadd.s32 s3, s23;
	[sflag:s25] =	ssyncadd.s32 $0xFFFFFF80  }
0x98: {  	[tilespmem:s28], [sflag:$0x3] =	stream.linear.gather [hbm4b:s3+s5], $0x80, $0x38;
	[tilespmem:$0x1EA00] =	vst v63  }
0x99: {  	_ =	swait.ge [sflag:s25], $0x80  }
0x9a: {  	[sflag:s25] =	ssyncset.done $0x0  }
0x9b: {  	[sflag:s25] =	ssyncadd.s32 $0xFFFFFF80  }
0x9c: {  	v1 =	vld [tilespmem:$0xF0]  }
0x9d: {  	v2 =	vld [tilespmem:$0xE0]  }
0x9e: {  	v3 =	vld [tilespmem:$0x90]  }
0x9f: {  	v4 =	vld [tilespmem:$0xA0]  }
0xa0: {  	v5 =	vld [tilespmem:$0x80]  }
0xa1: {  	v6 =	vand.u32 $0x7, v1;
	v1 =	vshrl.u32 v1, $0x3  }
0xa2: {  	v7 =	vld [tilespmem:$0xC0];
	v8 =	vand.u32 $0x7, v2;
	v2 =	vshrl.u32 v2, $0x3;
	[tilespmem:$0x170] =	vst v6  }
0xa3: {  	v6 =	vld [tilespmem:$0xB0];
	[tilespmem:$0x1F0] =	vst v1  }
0xa4: {  	v1 =	vand.u32 $0x7, v3;
	v3 =	vshrl.u32 v3, $0x3;
	v9 =	vand.u32 $0x7, v4;
	[tilespmem:$0x160] =	vst v8  }
0xa5: {  	v4 =	vshrl.u32 v4, $0x3;
	v8 =	vand.u32 $0x7, v5;
	v5 =	vshrl.u32 v5, $0x3;
	[tilespmem:$0x120] =	vst v9  }
0xa6: {  	[tilespmem:$0x1E0] =	vst v2  }
0xa7: {  	[tilespmem:$0x1A0] =	vst v4;
	v2 =	vand.u32 $0x7, v7;
	v4 =	vshrl.u32 v7, $0x3;
	v7 =	vld [tilespmem:$0xD0]  }
0xa8: {  	[tilespmem:$0x180] =	vst v5;
	v5 =	vand.u32 $0x7, v6;
	v6 =	vshrl.u32 v6, $0x3  }
0xa9: {  	[tilespmem:$0x1C0] =	vst v4  }
0xaa: {  	[tilespmem:$0x190] =	vst v3  }
0xab: {  	[tilespmem:$0x140] =	vst v2  }
0xac: {  	[tilespmem:$0x110] =	vst v1;
	v1 =	vand.u32 $0x7, v7;
	v2 =	vshrl.u32 v7, $0x3  }
0xad: {  	[tilespmem:$0x130] =	vst v5  }
.Ltmp4:
0xae: {  	[tilespmem:$0x1D0] =	vst v2;
	(pc) =	sbr.rel @p1 .LBB2_6-.Ltmp4, $4  }
0xaf: {  	[tilespmem:$0x100] =	vst v8  }
0xb0: {  	[tilespmem:$0x150] =	vst v1  }
0xb1: {  	[tilespmem:$0x1B0] =	vst v6  }
0xb2: {  	[tilespmem:s24], [sflag:$0x1] =	stream.indirect.gather [hbm4b:s1+s28], $0x80, s5, s28, $0xb8;
	[tilespmem:$0x1EA00] =	vst v63  }
0xb3: {  	[tilespmem:s26], [sflag:$0x2] =	stream.indirect.gather [hbm4b:s6+s28], $0x80, s29, s28, $0xb8;
	[tilespmem:$0x1EA00] =	vst v63  }
0xb4: {  	_ =	swait.ge [sflag:s30], $0x4000  }
0xb5: {  	[sflag:s30] =	ssyncset.done $0x0  }
0xb6: {  	[sflag:s30] =	ssyncadd.s32 $0xFFFFC000  }
0xb7: {  	[spmem:s2] =	stream.indirect.scatter.add.f32 [tilespmem:s24], [sflag:$0x3], $0x80, s28, s28, $0xb8;
	[tilespmem:$0x1EA00] =	vst v63  }
0xb8: {  	_ =	swait.ge [sflag:s25], $0x4000  }
0xb9: {  	[sflag:s25] =	ssyncset.done $0x0  }
0xba: {  	[sflag:s25] =	ssyncadd.s32 $0xFFFFC000  }
0xbb: {  	_ =	swait.ge [sflag:s31], $0x4000  }
0xbc: {  	[sflag:s31] =	ssyncset.done $0x0  }
.Ltmp5:
0xbd: {  	[sflag:s31] =	ssyncadd.s32 $0xFFFFC000;
	(pc) =	sbr.rel @p0 .LBB2_9-.Ltmp5, $4  }
0xbe: {  	[spmem:s4] =	stream.indirect.scatter.add.f32 [tilespmem:s26], [sflag:$0x3], $0x80, s0, s28, $0xb8;
	[tilespmem:$0x1EA00] =	vst v63  }
0xbf: {  	_ =	swait.ge [sflag:s25], $0x4000  }
0xc0: {  	[sflag:s25] =	ssyncset.done $0x0  }
0xc1: {  	[sflag:s25] =	ssyncadd.s32 $0xFFFFC000  }
0xc2: {  	s3 =	rddreg [dreg:$0x8]  }
0xc3: {  	[tilespmem:s5], [sflag:$0x3] =	stream.linear.gather [hbm4b:s3+s5], $0x80, $0x38;
	[tilespmem:$0x1EA00] =	vst v63  }
0xc4: {  	_ =	swait.ge [sflag:s25], $0x80  }
0xc5: {  	[sflag:s25] =	ssyncset.done $0x0  }
0xc6: {  	s15 =	rddreg [dreg:$0x9];
	[sflag:s25] =	ssyncadd.s32 $0xFFFFFF80  }
0xc7: {  	[tilespmem:s28], [sflag:$0x3] =	stream.linear.gather [hbm4b:s15+s5], $0x80, $0x38;
	[tilespmem:$0x1EA00] =	vst v63  }
0xc8: {  	_ =	swait.ge [sflag:s25], $0x80  }
0xc9: {  	[sflag:s25] =	ssyncset.done $0x0  }
0xca: {  	[sflag:s25] =	ssyncadd.s32 $0xFFFFFF80  }
0xcb: {  	v1 =	vld [tilespmem:$0x80];
	_ =	sdelay $0x1  }
0xcc: {  	v2 =	vld [tilespmem:$0x90];
	_ =	sdelay $0x1  }
0xcd: {  	v3 =	vld [tilespmem:$0xA0]  }
0xce: {  	v4 =	vand.u32 $0x7, v1  }
0xcf: {  	v62 =	vld [tilespmem:$0xB0];
	v1 =	vshrl.u32 v1, $0x3;
	[tilespmem:$0x100] =	vst v4  }
0xd0: {  	[tilespmem:$0x180] =	vst v1;
	v1 =	vand.u32 $0x7, v2  }
0xd1: {  	[tilespmem:$0x110] =	vst v1;
	v1 =	vshrl.u32 v2, $0x3;
	v2 =	vld [tilespmem:$0xC0]  }
0xd2: {  	[tilespmem:$0x190] =	vst v1;
	v1 =	vand.u32 $0x7, v3  }
0xd3: {  	[tilespmem:$0x120] =	vst v1;
	v1 =	vshrl.u32 v3, $0x3;
	v3 =	vld [tilespmem:$0xD0]  }
0xd4: {  	[tilespmem:$0x1A0] =	vst v1;
	v1 =	vand.u32 $0x7, v62  }
0xd5: {  	v63 =	vld [tilespmem:$0xE0];
	[tilespmem:$0x130] =	vst v1;
	v1 =	vshrl.u32 v62, $0x3  }
0xd6: {  	[tilespmem:$0x1B0] =	vst v1;
	v1 =	vand.u32 $0x7, v2  }
0xd7: {  	[tilespmem:$0x140] =	vst v1;
	v1 =	vshrl.u32 v2, $0x3;
	v2 =	vld [tilespmem:$0xF0]  }
0xd8: {  	[tilespmem:$0x1C0] =	vst v1;
	v1 =	vand.u32 $0x7, v3  }
0xd9: {  	[tilespmem:$0x150] =	vst v1;
	v1 =	vshrl.u32 v3, $0x3  }
0xda: {  	[tilespmem:$0x1D0] =	vst v1;
	v1 =	vand.u32 $0x7, v63  }
0xdb: {  	[tilespmem:$0x160] =	vst v1;
	v1 =	vshrl.u32 v63, $0x3  }
0xdc: {  	[tilespmem:$0x1E0] =	vst v1;
	v1 =	vand.u32 $0x7, v2  }
0xdd: {  	[tilespmem:$0x170] =	vst v1;
	v1 =	vshrl.u32 v2, $0x3  }
0xde: {  	[tilespmem:$0x1F0] =	vst v1  }
0xdf: {  	[tilespmem:s24], [sflag:$0x1] =	stream.indirect.gather [hbm4b:s1+s28], $0x80, s5, s28, $0xb8;
	[tilespmem:$0x1EA00] =	vst v63  }
0xe0: {  	_ = 	snop  }
0xe1: {  	[tilespmem:s26], [sflag:$0x2] =	stream.indirect.gather [hbm4b:s6+s28], $0x80, s29, s28, $0xb8;
	[tilespmem:$0x1EA00] =	vst v63  }
0xe2: {  	_ =	swait.ge [sflag:s30], $0x4000  }
0xe3: {  	[sflag:s30] =	ssyncset.done $0x0  }
0xe4: {  	[sflag:s30] =	ssyncadd.s32 $0xFFFFC000  }
0xe5: {  	[spmem:s2] =	stream.indirect.scatter.add.f32 [tilespmem:s24], [sflag:$0x3], $0x80, s28, s28, $0xb8;
	[tilespmem:$0x1EA00] =	vst v63  }
0xe6: {  	_ =	swait.ge [sflag:s25], $0x4000  }
0xe7: {  	[sflag:s25] =	ssyncset.done $0x0  }
0xe8: {  	[sflag:s25] =	ssyncadd.s32 $0xFFFFC000  }
0xe9: {  	_ =	swait.ge [sflag:s31], $0x4000  }
0xea: {  	[sflag:s31] =	ssyncset.done $0x0  }
.Ltmp6:
0xeb: {  	[sflag:s31] =	ssyncadd.s32 $0xFFFFC000;
	(pc) =	sbr.rel .LBB2_9-.Ltmp6, $4  }
0xec: {  	[spmem:s4] =	stream.indirect.scatter.add.f32 [tilespmem:s26], [sflag:$0x3], $0x80, s0, s28, $0xb8;
	[tilespmem:$0x1EA00] =	vst v63  }
0xed: {  	_ =	swait.ge [sflag:s25], $0x4000  }
0xee: {  	[sflag:s25] =	ssyncset.done $0x0  }
0xef: {  	[sflag:s25] =	ssyncadd.s32 $0xFFFFC000  }
.LBB2_10:
0xf0: {  	_ =	sfence.sel $0x180000  }
0xf1: {  	[bflag:$0x0] =	sbarrier.arrive $0xFFFF  }
0xf2: {  	_ =	strace $0x90000047  }
0xf3: {  	s0 =	stileid.u32;
	[bflag:$0x2] =	sbarrier.arrive $0xFFFF  }
0xf4: {  	p0 =	sne.s32 s0, $0x0;
	s0 =	rddreg [dreg:$0x5]  }
0xf5: {  	s0 =	sadd.s32 @!p0 $0x100000, s0  }
0xf6: {  	[sflag:s0] =	ssyncadd.tile.s32 @!p0 $0x1;
	_ =	shalt  }
.Lfunc_end2:
_tile_overlayer_lowered:
.L_overlay_start_2:
0xf7: {  	(tag) =	ssettag $0x2  }
0xf8: {  	s0 =	rddreg [dreg:$0x0];
	s2 =	stileid.u32  }
0xf9: {  	s1 =	rddreg [dreg:$0x1];
	p0 =	sne.s32 s2, $0x0  }
0xfa: {  	s3 =	rddreg [dreg:$0x2];
	[bflag:$0x3] =	sbarrier.arrive $0xFFFF;
	s2 =	simm.s32 @!p0 $0x1C03  }
0xfb: {  	[timem:s3], [sflag:s2] =	dma.local @!p0 [hbm:s0], s1  }
0xfc: {  	s0 =	simm.s32 @!p0 $0x3  }
0xfd: {  	_ =	swait.ge @!p0 [sflag:s0], s1  }
0xfe: {  	s1 =	ssub.s32 @!p0 $0x0, s1;
	[sflag:s0] =	ssyncset.done @!p0 $0x0  }
0xff: {  	[sflag:s0] =	ssyncadd.s32 @!p0 s1  }
0x100: {  	[bflag:$0x3] =	sbarrier.arrive $0xFFFF  }
0x101: {  	_ =	shalt  }

</sc_bundles>
